<compile_context>
chip_gen: v7x
topology: tpu7x:2x2x1
jax: 0.10.2.dev20260603
libtpu: 0.0.44.dev20260713+nightly
codegen_flags: <defaults>
</compile_context>

<pallas_src>
import functools

import jax
import jax.numpy as jnp
from jax import lax
from jax.experimental import pallas as pl
from jax.experimental.pallas import tpu as pltpu
from jax.experimental.pallas import tpu_sc as plsc

B, C, H, W = 16, 2, 512, 512
NPIX = B * H * W
NC, NS = 2, 16
NW = NC * NS

B_SC = 8
SECT = NW // B_SC
RPS = H // SECT
RBLK = 32
NCHUNK = RPS // RBLK
NPAIR = NCHUNK // 2
GRPW = W // 16

B_TC = B - B_SC
TCROWS = 128
TCQ = H // TCROWS

LN2 = 0.6931471805599453
_C = (0.15551455, -1.0395688, 3.0299323, -129.14516)


def _group_loss(l0, l1, t):
    z = l1 - l0
    zs = lax.bitcast_convert_type(
        lax.bitcast_convert_type(z, jnp.int32) ^ (t << 31), jnp.float32)
    e = jnp.exp(zs)
    p = 1.0 / (1.0 + e)
    p = jnp.maximum(p, 1e-8)
    omega = 1.0 - p
    f = omega * omega
    bits = lax.bitcast_convert_type(p, jnp.int32)
    exf = (bits >> 23).astype(jnp.float32)
    m = lax.bitcast_convert_type((bits & 0x007FFFFF) | 0x3F800000, jnp.float32)
    poly = _C[0]
    for c in _C[1:]:
        poly = poly * m + c
    lp = exf + poly
    return f * lp


def _focal_body(preds_hbm, trues_hbm, out_hbm,
                l0a, l1a, ta, l0b, l1b, tb, accv,
                s0a, s1a, sta, s0b, s1b, stb):
    wid = lax.axis_index("s") * NC + lax.axis_index("c")
    b = wid // SECT
    row0 = (wid % SECT) * RPS

    def start(k, bufs, sems):
        l0v, l1v, tv = bufs
        sl0, sl1, st = sems
        r = row0 + k * RBLK
        pltpu.async_copy(preds_hbm.at[b, 0, pl.ds(r, RBLK), :], l0v, sl0)
        pltpu.async_copy(preds_hbm.at[b, 1, pl.ds(r, RBLK), :], l1v, sl1)
        pltpu.async_copy(trues_hbm.at[b, pl.ds(r, RBLK), :], tv, st)

    def wait(bufs, sems):
        l0v, l1v, tv = bufs
        sl0, sl1, st = sems
        pltpu.make_async_copy(preds_hbm.at[0, 0, pl.ds(0, RBLK), :],
                              l0v, sl0).wait()
        pltpu.make_async_copy(preds_hbm.at[0, 1, pl.ds(0, RBLK), :],
                              l1v, sl1).wait()
        pltpu.make_async_copy(trues_hbm.at[0, pl.ds(0, RBLK), :],
                              tv, st).wait()

    def compute(bufs, acc):
        l0v, l1v, tv = bufs

        def row_body(i, a):
            def grp_body(j, aa):
                s = j * 16
                return aa + _group_loss(l0v[i, pl.ds(s, 16)],
                                        l1v[i, pl.ds(s, 16)],
                                        tv[i, pl.ds(s, 16)])

            return lax.fori_loop(0, GRPW, grp_body, a, unroll=8)

        return lax.fori_loop(0, RBLK, row_body, acc)

    slot0 = (l0a, l1a, ta)
    slot1 = (l0b, l1b, tb)
    sem0 = (s0a, s1a, sta)
    sem1 = (s0b, s1b, stb)

    start(0, slot0, sem0)

    def pair_body(kk, acc):
        start(2 * kk + 1, slot1, sem1)
        wait(slot0, sem0)
        acc = compute(slot0, acc)

        @pl.when(kk < NPAIR - 1)
        def _():
            start(2 * kk + 2, slot0, sem0)

        wait(slot1, sem1)
        return compute(slot1, acc)

    acc = lax.fori_loop(0, NPAIR, pair_body, jnp.zeros((16,), jnp.float32))
    accv[...] = acc
    pltpu.sync_copy(accv, out_hbm.at[wid])


_focal_sc = functools.partial(
    pl.kernel,
    out_type=jax.ShapeDtypeStruct((NW, 16), jnp.float32),
    mesh=plsc.VectorSubcoreMesh(core_axis_name="c", subcore_axis_name="s",
                                num_cores=NC, num_subcores=NS),
    compiler_params=pltpu.CompilerParams(use_tc_tiling_on_sc=True),
    scratch_types=[
        pltpu.VMEM((RBLK, W), jnp.float32),
        pltpu.VMEM((RBLK, W), jnp.float32),
        pltpu.VMEM((RBLK, W), jnp.int32),
        pltpu.VMEM((RBLK, W), jnp.float32),
        pltpu.VMEM((RBLK, W), jnp.float32),
        pltpu.VMEM((RBLK, W), jnp.int32),
        pltpu.VMEM((16,), jnp.float32),
        pltpu.SemaphoreType.DMA,
        pltpu.SemaphoreType.DMA,
        pltpu.SemaphoreType.DMA,
        pltpu.SemaphoreType.DMA,
        pltpu.SemaphoreType.DMA,
        pltpu.SemaphoreType.DMA,
    ],
)(_focal_body)


def _tc_body(pr, tr, o):
    first = (pl.program_id(0) == 0) & (pl.program_id(1) == 0)

    @pl.when(first)
    def _():
        o[...] = jnp.zeros((8, 128), jnp.float32)

    l0 = pr[0, 0]
    l1 = pr[0, 1]
    t = tr[0]
    z = l1 - l0
    zs = jnp.where(t > 0, -z, z)
    p = 1.0 / (1.0 + jnp.exp(zs))
    p = jnp.clip(p, 1e-8, 1.0 - 1e-8)
    omega = 1.0 - p
    s = jnp.sum(omega * omega * jnp.log(p))
    o[...] += jnp.full((8, 128), s, jnp.float32)


_focal_tc = pl.pallas_call(
    _tc_body,
    grid=(B_TC, TCQ),
    in_specs=[
        pl.BlockSpec((1, C, TCROWS, W), lambda i, q: (B_SC + i, 0, q, 0)),
        pl.BlockSpec((1, TCROWS, W), lambda i, q: (B_SC + i, q, 0)),
    ],
    out_specs=pl.BlockSpec((8, 128), lambda i, q: (0, 0)),
    out_shape=jax.ShapeDtypeStruct((8, 128), jnp.float32),
)


@jax.jit
def kernel(preds, trues):
    ti = trues.astype(jnp.int32)
    sc_part = _focal_sc(preds, ti)
    tc_part = _focal_tc(preds, ti)
    total = LN2 * jnp.sum(sc_part, dtype=jnp.float32) + tc_part[0, 0]
    return -total / NPIX

# --- scband reference (transcript-rebuilt; emitter-appended) ---
"""Pipeline reference for scband-multi-robust-focal-loss2d-33122787787502 (READ-ONLY COPY).

The authoritative reference and input builder live on the scoring server;
editing this copy changes nothing except your own understanding.
"""

import jax, jax.numpy as jnp
import numpy as np

GAMMA = 2
CLASS_WEIGHT = np.array([1.0, 1.0], dtype=np.float32)


def setup_inputs(seed: int = 0) -> dict:
    key = jax.random.key(seed)
    k1, k2 = jax.random.split(key)
    preds = jax.random.normal(k1, (16, 2, 512, 512), dtype=jnp.float32)
    trues = jax.random.randint(k2, (16, 512, 512), 0, 2, dtype=jnp.int64)
    return {"preds": preds, "trues": trues}


def reference(preds, trues):
    B, C, H, W = preds.shape
    target = trues.reshape(-1).astype(jnp.int32)
    # permute(0,2,3,1).view(-1, C)
    logit = jnp.transpose(preds, (0, 2, 3, 1)).reshape(-1, C)
    prob = jax.nn.softmax(logit, axis=1)
    n = logit.shape[0]
    # select.scatter_(1, target, 1.0) -> one-hot via scatter-set
    select = jnp.zeros((n, C), dtype=prob.dtype).at[jnp.arange(n), target].set(1.0)
    # class_weight gather by target
    cw_table = jnp.asarray(CLASS_WEIGHT)
    cw = jnp.take(cw_table, target, axis=0).reshape(-1, 1)
    p = jnp.sum(prob * select, axis=1).reshape(-1, 1)
    p = jnp.clip(p, 1e-08, 1.0 - 1e-08)
    focus = jnp.power(1.0 - p, GAMMA)
    focus = jnp.clip(focus, 0.0, 2.0)
    batch_loss = -cw * focus * jnp.log(p)
    # size_average=True
    return jnp.mean(batch_loss)

if __name__ == "__main__":
    import jax
    _d = setup_inputs()
    print(jax.jit(kernel)(*tuple(_d.values())))

</pallas_src>

<mosaic_0001>
#map = affine_map<(d0, d1) -> (0, 0, 0, 0)>
#map1 = affine_map<(d0, d1) -> (0, 0, 0)>
#map2 = affine_map<(d0, d1) -> (0, 0)>
module attributes {stable_mosaic.version = 14 : i64} {
  func.func @_focal_body(%arg0: i32, %arg1: i32, %arg2: memref<16x2x512x512xf32, #tpu.memory_space<hbm>>, %arg3: memref<16x512x512xi32, #tpu.memory_space<hbm>>, %arg4: memref<32x16xf32, #tpu.memory_space<hbm>>, %arg5: memref<32x512xf32, #tpu.memory_space<vmem>>, %arg6: memref<32x512xf32, #tpu.memory_space<vmem>>, %arg7: memref<32x512xi32, #tpu.memory_space<vmem>>, %arg8: memref<32x512xf32, #tpu.memory_space<vmem>>, %arg9: memref<32x512xf32, #tpu.memory_space<vmem>>, %arg10: memref<32x512xi32, #tpu.memory_space<vmem>>, %arg11: memref<16xf32, #tpu.memory_space<vmem>>, %arg12: memref<!tpu.dma_semaphore, #tpu.memory_space<semaphore_mem>>, %arg13: memref<!tpu.dma_semaphore, #tpu.memory_space<semaphore_mem>>, %arg14: memref<!tpu.dma_semaphore, #tpu.memory_space<semaphore_mem>>, %arg15: memref<!tpu.dma_semaphore, #tpu.memory_space<semaphore_mem>>, %arg16: memref<!tpu.dma_semaphore, #tpu.memory_space<semaphore_mem>>, %arg17: memref<!tpu.dma_semaphore, #tpu.memory_space<semaphore_mem>>) attributes {dimension_semantics = [#tpu.dimension_semantics<core_parallel>, #tpu.dimension_semantics<subcore_parallel>], iteration_bounds = array<i64: 2, 16>, scalar_prefetch = 0 : i64, scratch_operands = 13 : i64, tpu.core_type = #tpu.core_type<sc_vector_subcore>, window_params = [{transform_indices = #map}, {transform_indices = #map1}, {transform_indices = #map2}]} {
    %mul3A = arith.constant 2 : i32
    %mul3A_0 = arith.muli %arg1, %mul3A : i32
    %add3A = arith.addi %mul3A_0, %arg0 : i32
    %jit3A = arith.constant 4 : i32
    %div3A = arith.divsi %add3A, %jit3A : i32
    %sign3A = arith.constant 0 : i32
    %sign3A_1 = arith.cmpi sgt, %add3A, %sign3A : i32
    %sign3A_2 = arith.extui %sign3A_1 : i1 to i32
    %sign3A_3 = arith.constant 0 : i32
    %sign3A_4 = arith.cmpi slt, %add3A, %sign3A_3 : i32
    %sign3A_5 = arith.extui %sign3A_4 : i1 to i32
    %sign3A_6 = arith.subi %sign3A_2, %sign3A_5 : i32
    %sign3A_7 = arith.constant 0 : i32
    %sign3A_8 = arith.cmpi sgt, %jit3A, %sign3A_7 : i32
    %sign3A_9 = arith.extui %sign3A_8 : i1 to i32
    %sign3A_10 = arith.constant 0 : i32
    %sign3A_11 = arith.cmpi slt, %jit3A, %sign3A_10 : i32
    %sign3A_12 = arith.extui %sign3A_11 : i1 to i32
    %sign3A_13 = arith.subi %sign3A_9, %sign3A_12 : i32
    %ne3A = arith.cmpi ne, %sign3A_6, %sign3A_13 : i32
    %rem3A = arith.remsi %add3A, %jit3A : i32
    %ne3A_14 = arith.constant 0 : i32
    %ne3A_15 = arith.cmpi ne, %rem3A, %ne3A_14 : i32
    %and3A = arith.andi %ne3A, %ne3A_15 : i1
    %sub3A = arith.constant 1 : i32
    %sub3A_16 = arith.subi %div3A, %sub3A : i32
    %select_n3A = arith.select %and3A, %sub3A_16, %div3A : i32
    %jit3A_17 = arith.constant 4 : i32
    %eq3A = arith.constant 0 : i32
    %eq3A_18 = arith.cmpi eq, %jit3A_17, %eq3A : i32
    %jit3A_19 = arith.constant 1 : i32
    %select_n3A_20 = arith.select %eq3A_18, %jit3A_19, %jit3A_17 : i32
    %rem3A_21 = arith.remsi %add3A, %select_n3A_20 : i32
    %ne3A_22 = arith.constant 0 : i32
    %ne3A_23 = arith.cmpi ne, %rem3A_21, %ne3A_22 : i32
    %lt3A = arith.constant 0 : i32
    %lt3A_24 = arith.cmpi slt, %rem3A_21, %lt3A : i32
    %lt3A_25 = arith.constant 0 : i32
    %lt3A_26 = arith.cmpi slt, %select_n3A_20, %lt3A_25 : i32
    %ne3A_27 = arith.xori %lt3A_24, %lt3A_26 : i1
    %and3A_28 = arith.andi %ne3A_27, %ne3A_23 : i1
    %add3A_29 = arith.addi %rem3A_21, %select_n3A_20 : i32
    %select_n3A_30 = arith.select %and3A_28, %add3A_29, %rem3A_21 : i32
    %mul3A_31 = arith.constant 128 : i32
    %mul3A_32 = arith.muli %select_n3A_30, %mul3A_31 : i32
    %add3A_33 = arith.constant 0 : i32
    %add3A_34 = arith.addi %mul3A_32, %add3A_33 : i32
    %dma_start3A = arith.constant 0 : i32
    %dma_start3A_35 = arith.constant 0 : i32
    %dma_start3A_36 = tpu.memref_slice %arg2[%select_n3A, %dma_start3A, %add3A_34, %dma_start3A_35] : memref<16x2x512x512xf32, #tpu.memory_space<hbm>> -> memref<1x1x32x512xf32, #tpu.memory_space<hbm>>
    %dma_start3A_37 = tpu.memref_squeeze %dma_start3A_36 : memref<1x1x32x512xf32, #tpu.memory_space<hbm>> -> memref<32x512xf32, #tpu.memory_space<hbm>>
    %dma_start3A_38 = arith.constant 0 : i32
    %dma_start3A_39 = tpu.memref_slice %arg2[%select_n3A, %dma_start3A, %add3A_34, %dma_start3A_38] : memref<16x2x512x512xf32, #tpu.memory_space<hbm>> -> memref<1x1x32x512xf32, #tpu.memory_space<hbm>>
    %dma_start3A_40 = tpu.memref_squeeze %dma_start3A_39 : memref<1x1x32x512xf32, #tpu.memory_space<hbm>> -> memref<32x512xf32, #tpu.memory_space<hbm>>
    tpu.enqueue_dma source(%dma_start3A_40 : memref<32x512xf32, #tpu.memory_space<hbm>>) target(%arg5 : memref<32x512xf32, #tpu.memory_space<vmem>>) target_semaphore(%arg12 : memref<!tpu.dma_semaphore, #tpu.memory_space<semaphore_mem>>)
    %dma_start3A_41 = arith.constant 1 : i32
    %dma_start3A_42 = arith.constant 0 : i32
    %dma_start3A_43 = tpu.memref_slice %arg2[%select_n3A, %dma_start3A_41, %add3A_34, %dma_start3A_42] : memref<16x2x512x512xf32, #tpu.memory_space<hbm>> -> memref<1x1x32x512xf32, #tpu.memory_space<hbm>>
    %dma_start3A_44 = tpu.memref_squeeze %dma_start3A_43 : memref<1x1x32x512xf32, #tpu.memory_space<hbm>> -> memref<32x512xf32, #tpu.memory_space<hbm>>
    %dma_start3A_45 = arith.constant 0 : i32
    %dma_start3A_46 = tpu.memref_slice %arg2[%select_n3A, %dma_start3A_41, %add3A_34, %dma_start3A_45] : memref<16x2x512x512xf32, #tpu.memory_space<hbm>> -> memref<1x1x32x512xf32, #tpu.memory_space<hbm>>
    %dma_start3A_47 = tpu.memref_squeeze %dma_start3A_46 : memref<1x1x32x512xf32, #tpu.memory_space<hbm>> -> memref<32x512xf32, #tpu.memory_space<hbm>>
    tpu.enqueue_dma source(%dma_start3A_47 : memref<32x512xf32, #tpu.memory_space<hbm>>) target(%arg6 : memref<32x512xf32, #tpu.memory_space<vmem>>) target_semaphore(%arg13 : memref<!tpu.dma_semaphore, #tpu.memory_space<semaphore_mem>>)
    %dma_start3A_48 = arith.constant 0 : i32
    %dma_start3A_49 = tpu.memref_slice %arg3[%select_n3A, %add3A_34, %dma_start3A_48] : memref<16x512x512xi32, #tpu.memory_space<hbm>> -> memref<1x32x512xi32, #tpu.memory_space<hbm>>
    %dma_start3A_50 = tpu.memref_squeeze %dma_start3A_49 : memref<1x32x512xi32, #tpu.memory_space<hbm>> -> memref<32x512xi32, #tpu.memory_space<hbm>>
    %dma_start3A_51 = arith.constant 0 : i32
    %dma_start3A_52 = tpu.memref_slice %arg3[%select_n3A, %add3A_34, %dma_start3A_51] : memref<16x512x512xi32, #tpu.memory_space<hbm>> -> memref<1x32x512xi32, #tpu.memory_space<hbm>>
    %dma_start3A_53 = tpu.memref_squeeze %dma_start3A_52 : memref<1x32x512xi32, #tpu.memory_space<hbm>> -> memref<32x512xi32, #tpu.memory_space<hbm>>
    tpu.enqueue_dma source(%dma_start3A_53 : memref<32x512xi32, #tpu.memory_space<hbm>>) target(%arg7 : memref<32x512xi32, #tpu.memory_space<vmem>>) target_semaphore(%arg14 : memref<!tpu.dma_semaphore, #tpu.memory_space<semaphore_mem>>)
    %broadcast_in_dim3A = arith.constant 0.000000e+00 : f32
    %broadcast_in_dim3A_54 = vector.broadcast %broadcast_in_dim3A : f32 to vector<16xf32>
    %scan3A = arith.constant 0 : i32
    %scan3A_55 = arith.constant 2 : i32
    %scan3A_56 = arith.addi %scan3A, %scan3A_55 : i32
    %scan3A_57 = arith.constant 1 : i32
    %scan3A_58 = scf.for %scan3A_63 = %scan3A to %scan3A_56 step %scan3A_57 iter_args(%scan3A_64 = %broadcast_in_dim3A_54) -> (vector<16xf32>)  : i32 {
      %mul3A_65 = arith.constant 2 : i32
      %mul3A_66 = arith.muli %mul3A_65, %scan3A_63 : i32
      %add3A_67 = arith.constant 1 : i32
      %add3A_68 = arith.addi %mul3A_66, %add3A_67 : i32
      %mul3A_69 = arith.constant 32 : i32
      %mul3A_70 = arith.muli %add3A_68, %mul3A_69 : i32
      %add3A_71 = arith.addi %mul3A_32, %mul3A_70 : i32
      %dma_start3A_72 = arith.constant 0 : i32
      %dma_start3A_73 = arith.constant 0 : i32
      %dma_start3A_74 = tpu.memref_slice %arg2[%select_n3A, %dma_start3A_72, %add3A_71, %dma_start3A_73] : memref<16x2x512x512xf32, #tpu.memory_space<hbm>> -> memref<1x1x32x512xf32, #tpu.memory_space<hbm>>
      %dma_start3A_75 = tpu.memref_squeeze %dma_start3A_74 : memref<1x1x32x512xf32, #tpu.memory_space<hbm>> -> memref<32x512xf32, #tpu.memory_space<hbm>>
      %dma_start3A_76 = arith.constant 0 : i32
      %dma_start3A_77 = tpu.memref_slice %arg2[%select_n3A, %dma_start3A_72, %add3A_71, %dma_start3A_76] : memref<16x2x512x512xf32, #tpu.memory_space<hbm>> -> memref<1x1x32x512xf32, #tpu.memory_space<hbm>>
      %dma_start3A_78 = tpu.memref_squeeze %dma_start3A_77 : memref<1x1x32x512xf32, #tpu.memory_space<hbm>> -> memref<32x512xf32, #tpu.memory_space<hbm>>
      tpu.enqueue_dma source(%dma_start3A_78 : memref<32x512xf32, #tpu.memory_space<hbm>>) target(%arg8 : memref<32x512xf32, #tpu.memory_space<vmem>>) target_semaphore(%arg15 : memref<!tpu.dma_semaphore, #tpu.memory_space<semaphore_mem>>)
      %dma_start3A_79 = arith.constant 1 : i32
      %dma_start3A_80 = arith.constant 0 : i32
      %dma_start3A_81 = tpu.memref_slice %arg2[%select_n3A, %dma_start3A_79, %add3A_71, %dma_start3A_80] : memref<16x2x512x512xf32, #tpu.memory_space<hbm>> -> memref<1x1x32x512xf32, #tpu.memory_space<hbm>>
      %dma_start3A_82 = tpu.memref_squeeze %dma_start3A_81 : memref<1x1x32x512xf32, #tpu.memory_space<hbm>> -> memref<32x512xf32, #tpu.memory_space<hbm>>
      %dma_start3A_83 = arith.constant 0 : i32
      %dma_start3A_84 = tpu.memref_slice %arg2[%select_n3A, %dma_start3A_79, %add3A_71, %dma_start3A_83] : memref<16x2x512x512xf32, #tpu.memory_space<hbm>> -> memref<1x1x32x512xf32, #tpu.memory_space<hbm>>
      %dma_start3A_85 = tpu.memref_squeeze %dma_start3A_84 : memref<1x1x32x512xf32, #tpu.memory_space<hbm>> -> memref<32x512xf32, #tpu.memory_space<hbm>>
      tpu.enqueue_dma source(%dma_start3A_85 : memref<32x512xf32, #tpu.memory_space<hbm>>) target(%arg9 : memref<32x512xf32, #tpu.memory_space<vmem>>) target_semaphore(%arg16 : memref<!tpu.dma_semaphore, #tpu.memory_space<semaphore_mem>>)
      %dma_start3A_86 = arith.constant 0 : i32
      %dma_start3A_87 = tpu.memref_slice %arg3[%select_n3A, %add3A_71, %dma_start3A_86] : memref<16x512x512xi32, #tpu.memory_space<hbm>> -> memref<1x32x512xi32, #tpu.memory_space<hbm>>
      %dma_start3A_88 = tpu.memref_squeeze %dma_start3A_87 : memref<1x32x512xi32, #tpu.memory_space<hbm>> -> memref<32x512xi32, #tpu.memory_space<hbm>>
      %dma_start3A_89 = arith.constant 0 : i32
      %dma_start3A_90 = tpu.memref_slice %arg3[%select_n3A, %add3A_71, %dma_start3A_89] : memref<16x512x512xi32, #tpu.memory_space<hbm>> -> memref<1x32x512xi32, #tpu.memory_space<hbm>>
      %dma_start3A_91 = tpu.memref_squeeze %dma_start3A_90 : memref<1x32x512xi32, #tpu.memory_space<hbm>> -> memref<32x512xi32, #tpu.memory_space<hbm>>
      tpu.enqueue_dma source(%dma_start3A_91 : memref<32x512xi32, #tpu.memory_space<hbm>>) target(%arg10 : memref<32x512xi32, #tpu.memory_space<vmem>>) target_semaphore(%arg17 : memref<!tpu.dma_semaphore, #tpu.memory_space<semaphore_mem>>)
      %dma_wait3A = arith.constant 0 : i32
      %dma_wait3A_92 = arith.constant 0 : i32
      %dma_wait3A_93 = arith.constant 0 : i32
      %dma_wait3A_94 = arith.constant 0 : i32
      %dma_wait3A_95 = tpu.memref_slice %arg2[%dma_wait3A, %dma_wait3A_92, %dma_wait3A_93, %dma_wait3A_94] : memref<16x2x512x512xf32, #tpu.memory_space<hbm>> -> memref<1x1x32x512xf32, #tpu.memory_space<hbm>>
      %dma_wait3A_96 = tpu.memref_squeeze %dma_wait3A_95 : memref<1x1x32x512xf32, #tpu.memory_space<hbm>> -> memref<32x512xf32, #tpu.memory_space<hbm>>
      %dma_wait3A_97 = arith.constant 0 : i32
      %dma_wait3A_98 = arith.constant 0 : i32
      %dma_wait3A_99 = tpu.memref_slice %arg2[%dma_wait3A, %dma_wait3A_92, %dma_wait3A_97, %dma_wait3A_98] : memref<16x2x512x512xf32, #tpu.memory_space<hbm>> -> memref<1x1x32x512xf32, #tpu.memory_space<hbm>>
      %dma_wait3A_100 = tpu.memref_squeeze %dma_wait3A_99 : memref<1x1x32x512xf32, #tpu.memory_space<hbm>> -> memref<32x512xf32, #tpu.memory_space<hbm>>
      tpu.wait_dma2 semaphore(%arg12 : memref<!tpu.dma_semaphore, #tpu.memory_space<semaphore_mem>>) src(%dma_wait3A_100 : memref<32x512xf32, #tpu.memory_space<hbm>>) dst(%arg5 : memref<32x512xf32, #tpu.memory_space<vmem>>)
      %dma_wait3A_101 = arith.constant 0 : i32
      %dma_wait3A_102 = arith.constant 1 : i32
      %dma_wait3A_103 = arith.constant 0 : i32
      %dma_wait3A_104 = arith.constant 0 : i32
      %dma_wait3A_105 = tpu.memref_slice %arg2[%dma_wait3A_101, %dma_wait3A_102, %dma_wait3A_103, %dma_wait3A_104] : memref<16x2x512x512xf32, #tpu.memory_space<hbm>> -> memref<1x1x32x512xf32, #tpu.memory_space<hbm>>
      %dma_wait3A_106 = tpu.memref_squeeze %dma_wait3A_105 : memref<1x1x32x512xf32, #tpu.memory_space<hbm>> -> memref<32x512xf32, #tpu.memory_space<hbm>>
      %dma_wait3A_107 = arith.constant 0 : i32
      %dma_wait3A_108 = arith.constant 0 : i32
      %dma_wait3A_109 = tpu.memref_slice %arg2[%dma_wait3A_101, %dma_wait3A_102, %dma_wait3A_107, %dma_wait3A_108] : memref<16x2x512x512xf32, #tpu.memory_space<hbm>> -> memref<1x1x32x512xf32, #tpu.memory_space<hbm>>
      %dma_wait3A_110 = tpu.memref_squeeze %dma_wait3A_109 : memref<1x1x32x512xf32, #tpu.memory_space<hbm>> -> memref<32x512xf32, #tpu.memory_space<hbm>>
      tpu.wait_dma2 semaphore(%arg13 : memref<!tpu.dma_semaphore, #tpu.memory_space<semaphore_mem>>) src(%dma_wait3A_110 : memref<32x512xf32, #tpu.memory_space<hbm>>) dst(%arg6 : memref<32x512xf32, #tpu.memory_space<vmem>>)
      %dma_wait3A_111 = arith.constant 0 : i32
      %dma_wait3A_112 = arith.constant 0 : i32
      %dma_wait3A_113 = arith.constant 0 : i32
      %dma_wait3A_114 = tpu.memref_slice %arg3[%dma_wait3A_111, %dma_wait3A_112, %dma_wait3A_113] : memref<16x512x512xi32, #tpu.memory_space<hbm>> -> memref<1x32x512xi32, #tpu.memory_space<hbm>>
      %dma_wait3A_115 = tpu.memref_squeeze %dma_wait3A_114 : memref<1x32x512xi32, #tpu.memory_space<hbm>> -> memref<32x512xi32, #tpu.memory_space<hbm>>
      %dma_wait3A_116 = arith.constant 0 : i32
      %dma_wait3A_117 = arith.constant 0 : i32
      %dma_wait3A_118 = tpu.memref_slice %arg3[%dma_wait3A_111, %dma_wait3A_116, %dma_wait3A_117] : memref<16x512x512xi32, #tpu.memory_space<hbm>> -> memref<1x32x512xi32, #tpu.memory_space<hbm>>
      %dma_wait3A_119 = tpu.memref_squeeze %dma_wait3A_118 : memref<1x32x512xi32, #tpu.memory_space<hbm>> -> memref<32x512xi32, #tpu.memory_space<hbm>>
      tpu.wait_dma2 semaphore(%arg14 : memref<!tpu.dma_semaphore, #tpu.memory_space<semaphore_mem>>) src(%dma_wait3A_119 : memref<32x512xi32, #tpu.memory_space<hbm>>) dst(%arg7 : memref<32x512xi32, #tpu.memory_space<vmem>>)
      %scan3A_120 = arith.constant 0 : i32
      %scan3A_121 = arith.constant 32 : i32
      %scan3A_122 = arith.addi %scan3A_120, %scan3A_121 : i32
      %scan3A_123 = arith.constant 1 : i32
      %scan3A_124 = scf.for %scan3A_164 = %scan3A_120 to %scan3A_122 step %scan3A_123 iter_args(%scan3A_165 = %scan3A_64) -> (vector<16xf32>)  : i32 {
        %scan3A_166 = arith.constant 0 : i32
        %scan3A_167 = arith.constant 32 : i32
        %scan3A_168 = arith.addi %scan3A_166, %scan3A_167 : i32
        %scan3A_169 = arith.constant 8 : i32
        %scan3A_170 = scf.for %scan3A_172 = %scan3A_166 to %scan3A_168 step %scan3A_169 iter_args(%scan3A_173 = %scan3A_165) -> (vector<16xf32>)  : i32 {
          %mul3A_174 = arith.constant 16 : i32
          %mul3A_175 = arith.muli %scan3A_172, %mul3A_174 : i32
          %get3A = arith.index_cast %scan3A_164 : i32 to index
          %get3A_176 = arith.index_cast %mul3A_175 : i32 to index
          %get3A_177 = tpu.vector_load %arg5[%get3A, %get3A_176] {strides = array<i32>} : memref<32x512xf32, #tpu.memory_space<vmem>>, vector<1x16xf32>,
          %get3A_178 = vector.shape_cast %get3A_177 : vector<1x16xf32> to vector<16xf32>
          %get3A_179 = arith.index_cast %scan3A_164 : i32 to index
          %get3A_180 = arith.index_cast %mul3A_175 : i32 to index
          %get3A_181 = tpu.vector_load %arg6[%get3A_179, %get3A_180] {strides = array<i32>} : memref<32x512xf32, #tpu.memory_space<vmem>>, vector<1x16xf32>,
          %get3A_182 = vector.shape_cast %get3A_181 : vector<1x16xf32> to vector<16xf32>
          %get3A_183 = arith.index_cast %scan3A_164 : i32 to index
          %get3A_184 = arith.index_cast %mul3A_175 : i32 to index
          %get3A_185 = tpu.vector_load %arg7[%get3A_183, %get3A_184] {strides = array<i32>} : memref<32x512xi32, #tpu.memory_space<vmem>>, vector<1x16xi32>,
          %get3A_186 = vector.shape_cast %get3A_185 : vector<1x16xi32> to vector<16xi32>
          %sub3A_187 = arith.subf %get3A_182, %get3A_178 : vector<16xf32>
          %bitcast_convert_type3A = tpu.bitcast %sub3A_187 : vector<16xf32> -> vector<16xi32>
          %shift_left3A = arith.constant 31 : i32
          %shift_left3A_188 = vector.broadcast %shift_left3A : i32 to vector<16xi32>
          %shift_left3A_189 = arith.shli %get3A_186, %shift_left3A_188 : vector<16xi32>
          %xor3A = arith.xori %bitcast_convert_type3A, %shift_left3A_189 : vector<16xi32>
          %bitcast_convert_type3A_190 = tpu.bitcast %xor3A : vector<16xi32> -> vector<16xf32>
          %exp3A = math.exp %bitcast_convert_type3A_190 : vector<16xf32>
          %add3A_191 = arith.constant 1.000000e+00 : f32
          %add3A_192 = vector.broadcast %add3A_191 : f32 to vector<16xf32>
          %add3A_193 = arith.addf %add3A_192, %exp3A : vector<16xf32>
          %div3A_194 = arith.constant 1.000000e+00 : f32
          %div3A_195 = vector.broadcast %div3A_194 : f32 to vector<16xf32>
          %div3A_196 = arith.divf %div3A_195, %add3A_193 : vector<16xf32>
          %max3A = arith.constant 9.99999993E-9 : f32
          %max3A_197 = vector.broadcast %max3A : f32 to vector<16xf32>
          %max3A_198 = arith.maximumf %div3A_196, %max3A_197 : vector<16xf32>
          %sub3A_199 = arith.constant 1.000000e+00 : f32
          %sub3A_200 = vector.broadcast %sub3A_199 : f32 to vector<16xf32>
          %sub3A_201 = arith.subf %sub3A_200, %max3A_198 : vector<16xf32>
          %mul3A_202 = arith.mulf %sub3A_201, %sub3A_201 : vector<16xf32>
          %bitcast_convert_type3A_203 = tpu.bitcast %max3A_198 : vector<16xf32> -> vector<16xi32>
          %shift_right_arithmetic3A = arith.constant 23 : i32
          %shift_right_arithmetic3A_204 = vector.broadcast %shift_right_arithmetic3A : i32 to vector<16xi32>
          %shift_right_arithmetic3A_205 = arith.shrsi %bitcast_convert_type3A_203, %shift_right_arithmetic3A_204 : vector<16xi32>
          %convert_element_type3A_206 = arith.sitofp %shift_right_arithmetic3A_205 : vector<16xi32> to vector<16xf32>
          %and3A_207 = arith.constant 8388607 : i32
          %and3A_208 = vector.broadcast %and3A_207 : i32 to vector<16xi32>
          %and3A_209 = arith.andi %bitcast_convert_type3A_203, %and3A_208 : vector<16xi32>
          %or3A = arith.constant 1065353216 : i32
          %or3A_210 = vector.broadcast %or3A : i32 to vector<16xi32>
          %or3A_211 = arith.ori %and3A_209, %or3A_210 : vector<16xi32>
          %bitcast_convert_type3A_212 = tpu.bitcast %or3A_211 : vector<16xi32> -> vector<16xf32>
          %mul3A_213 = arith.constant 0.155514553 : f32
          %mul3A_214 = vector.broadcast %mul3A_213 : f32 to vector<16xf32>
          %mul3A_215 = arith.mulf %mul3A_214, %bitcast_convert_type3A_212 : vector<16xf32>
          %add3A_216 = arith.constant -1.03956878 : f32
          %add3A_217 = vector.broadcast %add3A_216 : f32 to vector<16xf32>
          %add3A_218 = arith.addf %mul3A_215, %add3A_217 : vector<16xf32>
          %mul3A_219 = arith.mulf %add3A_218, %bitcast_convert_type3A_212 : vector<16xf32>
          %add3A_220 = arith.constant 3.02993226 : f32
          %add3A_221 = vector.broadcast %add3A_220 : f32 to vector<16xf32>
          %add3A_222 = arith.addf %mul3A_219, %add3A_221 : vector<16xf32>
          %mul3A_223 = arith.mulf %add3A_222, %bitcast_convert_type3A_212 : vector<16xf32>
          %add3A_224 = arith.constant -129.145157 : f32
          %add3A_225 = vector.broadcast %add3A_224 : f32 to vector<16xf32>
          %add3A_226 = arith.addf %mul3A_223, %add3A_225 : vector<16xf32>
          %add3A_227 = arith.addf %convert_element_type3A_206, %add3A_226 : vector<16xf32>
          %mul3A_228 = arith.mulf %mul3A_202, %add3A_227 : vector<16xf32>
          %add3A_229 = arith.addf %scan3A_173, %mul3A_228 : vector<16xf32>
          %scan3A_230 = arith.constant 1 : i32
          %scan3A_231 = arith.addi %scan3A_172, %scan3A_230 : i32
          %mul3A_232 = arith.constant 16 : i32
          %mul3A_233 = arith.muli %scan3A_231, %mul3A_232 : i32
          %get3A_234 = arith.index_cast %scan3A_164 : i32 to index
          %get3A_235 = arith.index_cast %mul3A_233 : i32 to index
          %get3A_236 = tpu.vector_load %arg5[%get3A_234, %get3A_235] {strides = array<i32>} : memref<32x512xf32, #tpu.memory_space<vmem>>, vector<1x16xf32>,
          %get3A_237 = vector.shape_cast %get3A_236 : vector<1x16xf32> to vector<16xf32>
          %get3A_238 = arith.index_cast %scan3A_164 : i32 to index
          %get3A_239 = arith.index_cast %mul3A_233 : i32 to index
          %get3A_240 = tpu.vector_load %arg6[%get3A_238, %get3A_239] {strides = array<i32>} : memref<32x512xf32, #tpu.memory_space<vmem>>, vector<1x16xf32>,
          %get3A_241 = vector.shape_cast %get3A_240 : vector<1x16xf32> to vector<16xf32>
          %get3A_242 = arith.index_cast %scan3A_164 : i32 to index
          %get3A_243 = arith.index_cast %mul3A_233 : i32 to index
          %get3A_244 = tpu.vector_load %arg7[%get3A_242, %get3A_243] {strides = array<i32>} : memref<32x512xi32, #tpu.memory_space<vmem>>, vector<1x16xi32>,
          %get3A_245 = vector.shape_cast %get3A_244 : vector<1x16xi32> to vector<16xi32>
          %sub3A_246 = arith.subf %get3A_241, %get3A_237 : vector<16xf32>
          %bitcast_convert_type3A_247 = tpu.bitcast %sub3A_246 : vector<16xf32> -> vector<16xi32>
          %shift_left3A_248 = arith.constant 31 : i32
          %shift_left3A_249 = vector.broadcast %shift_left3A_248 : i32 to vector<16xi32>
          %shift_left3A_250 = arith.shli %get3A_245, %shift_left3A_249 : vector<16xi32>
          %xor3A_251 = arith.xori %bitcast_convert_type3A_247, %shift_left3A_250 : vector<16xi32>
          %bitcast_convert_type3A_252 = tpu.bitcast %xor3A_251 : vector<16xi32> -> vector<16xf32>
          %exp3A_253 = math.exp %bitcast_convert_type3A_252 : vector<16xf32>
          %add3A_254 = arith.constant 1.000000e+00 : f32
          %add3A_255 = vector.broadcast %add3A_254 : f32 to vector<16xf32>
          %add3A_256 = arith.addf %add3A_255, %exp3A_253 : vector<16xf32>
          %div3A_257 = arith.constant 1.000000e+00 : f32
          %div3A_258 = vector.broadcast %div3A_257 : f32 to vector<16xf32>
          %div3A_259 = arith.divf %div3A_258, %add3A_256 : vector<16xf32>
          %max3A_260 = arith.constant 9.99999993E-9 : f32
          %max3A_261 = vector.broadcast %max3A_260 : f32 to vector<16xf32>
          %max3A_262 = arith.maximumf %div3A_259, %max3A_261 : vector<16xf32>
          %sub3A_263 = arith.constant 1.000000e+00 : f32
          %sub3A_264 = vector.broadcast %sub3A_263 : f32 to vector<16xf32>
          %sub3A_265 = arith.subf %sub3A_264, %max3A_262 : vector<16xf32>
          %mul3A_266 = arith.mulf %sub3A_265, %sub3A_265 : vector<16xf32>
          %bitcast_convert_type3A_267 = tpu.bitcast %max3A_262 : vector<16xf32> -> vector<16xi32>
          %shift_right_arithmetic3A_268 = arith.constant 23 : i32
          %shift_right_arithmetic3A_269 = vector.broadcast %shift_right_arithmetic3A_268 : i32 to vector<16xi32>
          %shift_right_arithmetic3A_270 = arith.shrsi %bitcast_convert_type3A_267, %shift_right_arithmetic3A_269 : vector<16xi32>
          %convert_element_type3A_271 = arith.sitofp %shift_right_arithmetic3A_270 : vector<16xi32> to vector<16xf32>
          %and3A_272 = arith.constant 8388607 : i32
          %and3A_273 = vector.broadcast %and3A_272 : i32 to vector<16xi32>
          %and3A_274 = arith.andi %bitcast_convert_type3A_267, %and3A_273 : vector<16xi32>
          %or3A_275 = arith.constant 1065353216 : i32
          %or3A_276 = vector.broadcast %or3A_275 : i32 to vector<16xi32>
          %or3A_277 = arith.ori %and3A_274, %or3A_276 : vector<16xi32>
          %bitcast_convert_type3A_278 = tpu.bitcast %or3A_277 : vector<16xi32> -> vector<16xf32>
          %mul3A_279 = arith.constant 0.155514553 : f32
          %mul3A_280 = vector.broadcast %mul3A_279 : f32 to vector<16xf32>
          %mul3A_281 = arith.mulf %mul3A_280, %bitcast_convert_type3A_278 : vector<16xf32>
          %add3A_282 = arith.constant -1.03956878 : f32
          %add3A_283 = vector.broadcast %add3A_282 : f32 to vector<16xf32>
          %add3A_284 = arith.addf %mul3A_281, %add3A_283 : vector<16xf32>
          %mul3A_285 = arith.mulf %add3A_284, %bitcast_convert_type3A_278 : vector<16xf32>
          %add3A_286 = arith.constant 3.02993226 : f32
          %add3A_287 = vector.broadcast %add3A_286 : f32 to vector<16xf32>
          %add3A_288 = arith.addf %mul3A_285, %add3A_287 : vector<16xf32>
          %mul3A_289 = arith.mulf %add3A_288, %bitcast_convert_type3A_278 : vector<16xf32>
          %add3A_290 = arith.constant -129.145157 : f32
          %add3A_291 = vector.broadcast %add3A_290 : f32 to vector<16xf32>
          %add3A_292 = arith.addf %mul3A_289, %add3A_291 : vector<16xf32>
          %add3A_293 = arith.addf %convert_element_type3A_271, %add3A_292 : vector<16xf32>
          %mul3A_294 = arith.mulf %mul3A_266, %add3A_293 : vector<16xf32>
          %add3A_295 = arith.addf %add3A_229, %mul3A_294 : vector<16xf32>
          %scan3A_296 = arith.constant 2 : i32
          %scan3A_297 = arith.addi %scan3A_172, %scan3A_296 : i32
          %mul3A_298 = arith.constant 16 : i32
          %mul3A_299 = arith.muli %scan3A_297, %mul3A_298 : i32
          %get3A_300 = arith.index_cast %scan3A_164 : i32 to index
          %get3A_301 = arith.index_cast %mul3A_299 : i32 to index
          %get3A_302 = tpu.vector_load %arg5[%get3A_300, %get3A_301] {strides = array<i32>} : memref<32x512xf32, #tpu.memory_space<vmem>>, vector<1x16xf32>,
          %get3A_303 = vector.shape_cast %get3A_302 : vector<1x16xf32> to vector<16xf32>
          %get3A_304 = arith.index_cast %scan3A_164 : i32 to index
          %get3A_305 = arith.index_cast %mul3A_299 : i32 to index
          %get3A_306 = tpu.vector_load %arg6[%get3A_304, %get3A_305] {strides = array<i32>} : memref<32x512xf32, #tpu.memory_space<vmem>>, vector<1x16xf32>,
          %get3A_307 = vector.shape_cast %get3A_306 : vector<1x16xf32> to vector<16xf32>
          %get3A_308 = arith.index_cast %scan3A_164 : i32 to index
          %get3A_309 = arith.index_cast %mul3A_299 : i32 to index
          %get3A_310 = tpu.vector_load %arg7[%get3A_308, %get3A_309] {strides = array<i32>} : memref<32x512xi32, #tpu.memory_space<vmem>>, vector<1x16xi32>,
          %get3A_311 = vector.shape_cast %get3A_310 : vector<1x16xi32> to vector<16xi32>
          %sub3A_312 = arith.subf %get3A_307, %get3A_303 : vector<16xf32>
          %bitcast_convert_type3A_313 = tpu.bitcast %sub3A_312 : vector<16xf32> -> vector<16xi32>
          %shift_left3A_314 = arith.constant 31 : i32
          %shift_left3A_315 = vector.broadcast %shift_left3A_314 : i32 to vector<16xi32>
          %shift_left3A_316 = arith.shli %get3A_311, %shift_left3A_315 : vector<16xi32>
          %xor3A_317 = arith.xori %bitcast_convert_type3A_313, %shift_left3A_316 : vector<16xi32>
          %bitcast_convert_type3A_318 = tpu.bitcast %xor3A_317 : vector<16xi32> -> vector<16xf32>
          %exp3A_319 = math.exp %bitcast_convert_type3A_318 : vector<16xf32>
          %add3A_320 = arith.constant 1.000000e+00 : f32
          %add3A_321 = vector.broadcast %add3A_320 : f32 to vector<16xf32>
          %add3A_322 = arith.addf %add3A_321, %exp3A_319 : vector<16xf32>
          %div3A_323 = arith.constant 1.000000e+00 : f32
          %div3A_324 = vector.broadcast %div3A_323 : f32 to vector<16xf32>
          %div3A_325 = arith.divf %div3A_324, %add3A_322 : vector<16xf32>
          %max3A_326 = arith.constant 9.99999993E-9 : f32
          %max3A_327 = vector.broadcast %max3A_326 : f32 to vector<16xf32>
          %max3A_328 = arith.maximumf %div3A_325, %max3A_327 : vector<16xf32>
          %sub3A_329 = arith.constant 1.000000e+00 : f32
          %sub3A_330 = vector.broadcast %sub3A_329 : f32 to vector<16xf32>
          %sub3A_331 = arith.subf %sub3A_330, %max3A_328 : vector<16xf32>
          %mul3A_332 = arith.mulf %sub3A_331, %sub3A_331 : vector<16xf32>
          %bitcast_convert_type3A_333 = tpu.bitcast %max3A_328 : vector<16xf32> -> vector<16xi32>
          %shift_right_arithmetic3A_334 = arith.constant 23 : i32
          %shift_right_arithmetic3A_335 = vector.broadcast %shift_right_arithmetic3A_334 : i32 to vector<16xi32>
          %shift_right_arithmetic3A_336 = arith.shrsi %bitcast_convert_type3A_333, %shift_right_arithmetic3A_335 : vector<16xi32>
          %convert_element_type3A_337 = arith.sitofp %shift_right_arithmetic3A_336 : vector<16xi32> to vector<16xf32>
          %and3A_338 = arith.constant 8388607 : i32
          %and3A_339 = vector.broadcast %and3A_338 : i32 to vector<16xi32>
          %and3A_340 = arith.andi %bitcast_convert_type3A_333, %and3A_339 : vector<16xi32>
          %or3A_341 = arith.constant 1065353216 : i32
          %or3A_342 = vector.broadcast %or3A_341 : i32 to vector<16xi32>
          %or3A_343 = arith.ori %and3A_340, %or3A_342 : vector<16xi32>
          %bitcast_convert_type3A_344 = tpu.bitcast %or3A_343 : vector<16xi32> -> vector<16xf32>
          %mul3A_345 = arith.constant 0.155514553 : f32
          %mul3A_346 = vector.broadcast %mul3A_345 : f32 to vector<16xf32>
          %mul3A_347 = arith.mulf %mul3A_346, %bitcast_convert_type3A_344 : vector<16xf32>
          %add3A_348 = arith.constant -1.03956878 : f32
          %add3A_349 = vector.broadcast %add3A_348 : f32 to vector<16xf32>
          %add3A_350 = arith.addf %mul3A_347, %add3A_349 : vector<16xf32>
          %mul3A_351 = arith.mulf %add3A_350, %bitcast_convert_type3A_344 : vector<16xf32>
          %add3A_352 = arith.constant 3.02993226 : f32
          %add3A_353 = vector.broadcast %add3A_352 : f32 to vector<16xf32>
          %add3A_354 = arith.addf %mul3A_351, %add3A_353 : vector<16xf32>
          %mul3A_355 = arith.mulf %add3A_354, %bitcast_convert_type3A_344 : vector<16xf32>
          %add3A_356 = arith.constant -129.145157 : f32
          %add3A_357 = vector.broadcast %add3A_356 : f32 to vector<16xf32>
          %add3A_358 = arith.addf %mul3A_355, %add3A_357 : vector<16xf32>
          %add3A_359 = arith.addf %convert_element_type3A_337, %add3A_358 : vector<16xf32>
          %mul3A_360 = arith.mulf %mul3A_332, %add3A_359 : vector<16xf32>
          %add3A_361 = arith.addf %add3A_295, %mul3A_360 : vector<16xf32>
          %scan3A_362 = arith.constant 3 : i32
          %scan3A_363 = arith.addi %scan3A_172, %scan3A_362 : i32
          %mul3A_364 = arith.constant 16 : i32
          %mul3A_365 = arith.muli %scan3A_363, %mul3A_364 : i32
          %get3A_366 = arith.index_cast %scan3A_164 : i32 to index
          %get3A_367 = arith.index_cast %mul3A_365 : i32 to index
          %get3A_368 = tpu.vector_load %arg5[%get3A_366, %get3A_367] {strides = array<i32>} : memref<32x512xf32, #tpu.memory_space<vmem>>, vector<1x16xf32>,
          %get3A_369 = vector.shape_cast %get3A_368 : vector<1x16xf32> to vector<16xf32>
          %get3A_370 = arith.index_cast %scan3A_164 : i32 to index
          %get3A_371 = arith.index_cast %mul3A_365 : i32 to index
          %get3A_372 = tpu.vector_load %arg6[%get3A_370, %get3A_371] {strides = array<i32>} : memref<32x512xf32, #tpu.memory_space<vmem>>, vector<1x16xf32>,
          %get3A_373 = vector.shape_cast %get3A_372 : vector<1x16xf32> to vector<16xf32>
          %get3A_374 = arith.index_cast %scan3A_164 : i32 to index
          %get3A_375 = arith.index_cast %mul3A_365 : i32 to index
          %get3A_376 = tpu.vector_load %arg7[%get3A_374, %get3A_375] {strides = array<i32>} : memref<32x512xi32, #tpu.memory_space<vmem>>, vector<1x16xi32>,
          %get3A_377 = vector.shape_cast %get3A_376 : vector<1x16xi32> to vector<16xi32>
          %sub3A_378 = arith.subf %get3A_373, %get3A_369 : vector<16xf32>
          %bitcast_convert_type3A_379 = tpu.bitcast %sub3A_378 : vector<16xf32> -> vector<16xi32>
          %shift_left3A_380 = arith.constant 31 : i32
          %shift_left3A_381 = vector.broadcast %shift_left3A_380 : i32 to vector<16xi32>
          %shift_left3A_382 = arith.shli %get3A_377, %shift_left3A_381 : vector<16xi32>
          %xor3A_383 = arith.xori %bitcast_convert_type3A_379, %shift_left3A_382 : vector<16xi32>
          %bitcast_convert_type3A_384 = tpu.bitcast %xor3A_383 : vector<16xi32> -> vector<16xf32>
          %exp3A_385 = math.exp %bitcast_convert_type3A_384 : vector<16xf32>
          %add3A_386 = arith.constant 1.000000e+00 : f32
          %add3A_387 = vector.broadcast %add3A_386 : f32 to vector<16xf32>
          %add3A_388 = arith.addf %add3A_387, %exp3A_385 : vector<16xf32>
          %div3A_389 = arith.constant 1.000000e+00 : f32
          %div3A_390 = vector.broadcast %div3A_389 : f32 to vector<16xf32>
          %div3A_391 = arith.divf %div3A_390, %add3A_388 : vector<16xf32>
          %max3A_392 = arith.constant 9.99999993E-9 : f32
          %max3A_393 = vector.broadcast %max3A_392 : f32 to vector<16xf32>
          %max3A_394 = arith.maximumf %div3A_391, %max3A_393 : vector<16xf32>
          %sub3A_395 = arith.constant 1.000000e+00 : f32
          %sub3A_396 = vector.broadcast %sub3A_395 : f32 to vector<16xf32>
          %sub3A_397 = arith.subf %sub3A_396, %max3A_394 : vector<16xf32>
          %mul3A_398 = arith.mulf %sub3A_397, %sub3A_397 : vector<16xf32>
          %bitcast_convert_type3A_399 = tpu.bitcast %max3A_394 : vector<16xf32> -> vector<16xi32>
          %shift_right_arithmetic3A_400 = arith.constant 23 : i32
          %shift_right_arithmetic3A_401 = vector.broadcast %shift_right_arithmetic3A_400 : i32 to vector<16xi32>
          %shift_right_arithmetic3A_402 = arith.shrsi %bitcast_convert_type3A_399, %shift_right_arithmetic3A_401 : vector<16xi32>
          %convert_element_type3A_403 = arith.sitofp %shift_right_arithmetic3A_402 : vector<16xi32> to vector<16xf32>
          %and3A_404 = arith.constant 8388607 : i32
          %and3A_405 = vector.broadcast %and3A_404 : i32 to vector<16xi32>
          %and3A_406 = arith.andi %bitcast_convert_type3A_399, %and3A_405 : vector<16xi32>
          %or3A_407 = arith.constant 1065353216 : i32
          %or3A_408 = vector.broadcast %or3A_407 : i32 to vector<16xi32>
          %or3A_409 = arith.ori %and3A_406, %or3A_408 : vector<16xi32>
          %bitcast_convert_type3A_410 = tpu.bitcast %or3A_409 : vector<16xi32> -> vector<16xf32>
          %mul3A_411 = arith.constant 0.155514553 : f32
          %mul3A_412 = vector.broadcast %mul3A_411 : f32 to vector<16xf32>
          %mul3A_413 = arith.mulf %mul3A_412, %bitcast_convert_type3A_410 : vector<16xf32>
          %add3A_414 = arith.constant -1.03956878 : f32
          %add3A_415 = vector.broadcast %add3A_414 : f32 to vector<16xf32>
          %add3A_416 = arith.addf %mul3A_413, %add3A_415 : vector<16xf32>
          %mul3A_417 = arith.mulf %add3A_416, %bitcast_convert_type3A_410 : vector<16xf32>
          %add3A_418 = arith.constant 3.02993226 : f32
          %add3A_419 = vector.broadcast %add3A_418 : f32 to vector<16xf32>
          %add3A_420 = arith.addf %mul3A_417, %add3A_419 : vector<16xf32>
          %mul3A_421 = arith.mulf %add3A_420, %bitcast_convert_type3A_410 : vector<16xf32>
          %add3A_422 = arith.constant -129.145157 : f32
          %add3A_423 = vector.broadcast %add3A_422 : f32 to vector<16xf32>
          %add3A_424 = arith.addf %mul3A_421, %add3A_423 : vector<16xf32>
          %add3A_425 = arith.addf %convert_element_type3A_403, %add3A_424 : vector<16xf32>
          %mul3A_426 = arith.mulf %mul3A_398, %add3A_425 : vector<16xf32>
          %add3A_427 = arith.addf %add3A_361, %mul3A_426 : vector<16xf32>
          %scan3A_428 = arith.constant 4 : i32
          %scan3A_429 = arith.addi %scan3A_172, %scan3A_428 : i32
          %mul3A_430 = arith.constant 16 : i32
          %mul3A_431 = arith.muli %scan3A_429, %mul3A_430 : i32
          %get3A_432 = arith.index_cast %scan3A_164 : i32 to index
          %get3A_433 = arith.index_cast %mul3A_431 : i32 to index
          %get3A_434 = tpu.vector_load %arg5[%get3A_432, %get3A_433] {strides = array<i32>} : memref<32x512xf32, #tpu.memory_space<vmem>>, vector<1x16xf32>,
          %get3A_435 = vector.shape_cast %get3A_434 : vector<1x16xf32> to vector<16xf32>
          %get3A_436 = arith.index_cast %scan3A_164 : i32 to index
          %get3A_437 = arith.index_cast %mul3A_431 : i32 to index
          %get3A_438 = tpu.vector_load %arg6[%get3A_436, %get3A_437] {strides = array<i32>} : memref<32x512xf32, #tpu.memory_space<vmem>>, vector<1x16xf32>,
          %get3A_439 = vector.shape_cast %get3A_438 : vector<1x16xf32> to vector<16xf32>
          %get3A_440 = arith.index_cast %scan3A_164 : i32 to index
          %get3A_441 = arith.index_cast %mul3A_431 : i32 to index
          %get3A_442 = tpu.vector_load %arg7[%get3A_440, %get3A_441] {strides = array<i32>} : memref<32x512xi32, #tpu.memory_space<vmem>>, vector<1x16xi32>,
          %get3A_443 = vector.shape_cast %get3A_442 : vector<1x16xi32> to vector<16xi32>
          %sub3A_444 = arith.subf %get3A_439, %get3A_435 : vector<16xf32>
          %bitcast_convert_type3A_445 = tpu.bitcast %sub3A_444 : vector<16xf32> -> vector<16xi32>
          %shift_left3A_446 = arith.constant 31 : i32
          %shift_left3A_447 = vector.broadcast %shift_left3A_446 : i32 to vector<16xi32>
          %shift_left3A_448 = arith.shli %get3A_443, %shift_left3A_447 : vector<16xi32>
          %xor3A_449 = arith.xori %bitcast_convert_type3A_445, %shift_left3A_448 : vector<16xi32>
          %bitcast_convert_type3A_450 = tpu.bitcast %xor3A_449 : vector<16xi32> -> vector<16xf32>
          %exp3A_451 = math.exp %bitcast_convert_type3A_450 : vector<16xf32>
          %add3A_452 = arith.constant 1.000000e+00 : f32
          %add3A_453 = vector.broadcast %add3A_452 : f32 to vector<16xf32>
          %add3A_454 = arith.addf %add3A_453, %exp3A_451 : vector<16xf32>
          %div3A_455 = arith.constant 1.000000e+00 : f32
          %div3A_456 = vector.broadcast %div3A_455 : f32 to vector<16xf32>
          %div3A_457 = arith.divf %div3A_456, %add3A_454 : vector<16xf32>
          %max3A_458 = arith.constant 9.99999993E-9 : f32
          %max3A_459 = vector.broadcast %max3A_458 : f32 to vector<16xf32>
          %max3A_460 = arith.maximumf %div3A_457, %max3A_459 : vector<16xf32>
          %sub3A_461 = arith.constant 1.000000e+00 : f32
          %sub3A_462 = vector.broadcast %sub3A_461 : f32 to vector<16xf32>
          %sub3A_463 = arith.subf %sub3A_462, %max3A_460 : vector<16xf32>
          %mul3A_464 = arith.mulf %sub3A_463, %sub3A_463 : vector<16xf32>
          %bitcast_convert_type3A_465 = tpu.bitcast %max3A_460 : vector<16xf32> -> vector<16xi32>
          %shift_right_arithmetic3A_466 = arith.constant 23 : i32
          %shift_right_arithmetic3A_467 = vector.broadcast %shift_right_arithmetic3A_466 : i32 to vector<16xi32>
          %shift_right_arithmetic3A_468 = arith.shrsi %bitcast_convert_type3A_465, %shift_right_arithmetic3A_467 : vector<16xi32>
          %convert_element_type3A_469 = arith.sitofp %shift_right_arithmetic3A_468 : vector<16xi32> to vector<16xf32>
          %and3A_470 = arith.constant 8388607 : i32
          %and3A_471 = vector.broadcast %and3A_470 : i32 to vector<16xi32>
          %and3A_472 = arith.andi %bitcast_convert_type3A_465, %and3A_471 : vector<16xi32>
          %or3A_473 = arith.constant 1065353216 : i32
          %or3A_474 = vector.broadcast %or3A_473 : i32 to vector<16xi32>
          %or3A_475 = arith.ori %and3A_472, %or3A_474 : vector<16xi32>
          %bitcast_convert_type3A_476 = tpu.bitcast %or3A_475 : vector<16xi32> -> vector<16xf32>
          %mul3A_477 = arith.constant 0.155514553 : f32
          %mul3A_478 = vector.broadcast %mul3A_477 : f32 to vector<16xf32>
          %mul3A_479 = arith.mulf %mul3A_478, %bitcast_convert_type3A_476 : vector<16xf32>
          %add3A_480 = arith.constant -1.03956878 : f32
          %add3A_481 = vector.broadcast %add3A_480 : f32 to vector<16xf32>
          %add3A_482 = arith.addf %mul3A_479, %add3A_481 : vector<16xf32>
          %mul3A_483 = arith.mulf %add3A_482, %bitcast_convert_type3A_476 : vector<16xf32>
          %add3A_484 = arith.constant 3.02993226 : f32
          %add3A_485 = vector.broadcast %add3A_484 : f32 to vector<16xf32>
          %add3A_486 = arith.addf %mul3A_483, %add3A_485 : vector<16xf32>
          %mul3A_487 = arith.mulf %add3A_486, %bitcast_convert_type3A_476 : vector<16xf32>
          %add3A_488 = arith.constant -129.145157 : f32
          %add3A_489 = vector.broadcast %add3A_488 : f32 to vector<16xf32>
          %add3A_490 = arith.addf %mul3A_487, %add3A_489 : vector<16xf32>
          %add3A_491 = arith.addf %convert_element_type3A_469, %add3A_490 : vector<16xf32>
          %mul3A_492 = arith.mulf %mul3A_464, %add3A_491 : vector<16xf32>
          %add3A_493 = arith.addf %add3A_427, %mul3A_492 : vector<16xf32>
          %scan3A_494 = arith.constant 5 : i32
          %scan3A_495 = arith.addi %scan3A_172, %scan3A_494 : i32
          %mul3A_496 = arith.constant 16 : i32
          %mul3A_497 = arith.muli %scan3A_495, %mul3A_496 : i32
          %get3A_498 = arith.index_cast %scan3A_164 : i32 to index
          %get3A_499 = arith.index_cast %mul3A_497 : i32 to index
          %get3A_500 = tpu.vector_load %arg5[%get3A_498, %get3A_499] {strides = array<i32>} : memref<32x512xf32, #tpu.memory_space<vmem>>, vector<1x16xf32>,
          %get3A_501 = vector.shape_cast %get3A_500 : vector<1x16xf32> to vector<16xf32>
          %get3A_502 = arith.index_cast %scan3A_164 : i32 to index
          %get3A_503 = arith.index_cast %mul3A_497 : i32 to index
          %get3A_504 = tpu.vector_load %arg6[%get3A_502, %get3A_503] {strides = array<i32>} : memref<32x512xf32, #tpu.memory_space<vmem>>, vector<1x16xf32>,
          %get3A_505 = vector.shape_cast %get3A_504 : vector<1x16xf32> to vector<16xf32>
          %get3A_506 = arith.index_cast %scan3A_164 : i32 to index
          %get3A_507 = arith.index_cast %mul3A_497 : i32 to index
          %get3A_508 = tpu.vector_load %arg7[%get3A_506, %get3A_507] {strides = array<i32>} : memref<32x512xi32, #tpu.memory_space<vmem>>, vector<1x16xi32>,
          %get3A_509 = vector.shape_cast %get3A_508 : vector<1x16xi32> to vector<16xi32>
          %sub3A_510 = arith.subf %get3A_505, %get3A_501 : vector<16xf32>
          %bitcast_convert_type3A_511 = tpu.bitcast %sub3A_510 : vector<16xf32> -> vector<16xi32>
          %shift_left3A_512 = arith.constant 31 : i32
          %shift_left3A_513 = vector.broadcast %shift_left3A_512 : i32 to vector<16xi32>
          %shift_left3A_514 = arith.shli %get3A_509, %shift_left3A_513 : vector<16xi32>
          %xor3A_515 = arith.xori %bitcast_convert_type3A_511, %shift_left3A_514 : vector<16xi32>
          %bitcast_convert_type3A_516 = tpu.bitcast %xor3A_515 : vector<16xi32> -> vector<16xf32>
          %exp3A_517 = math.exp %bitcast_convert_type3A_516 : vector<16xf32>
          %add3A_518 = arith.constant 1.000000e+00 : f32
          %add3A_519 = vector.broadcast %add3A_518 : f32 to vector<16xf32>
          %add3A_520 = arith.addf %add3A_519, %exp3A_517 : vector<16xf32>
          %div3A_521 = arith.constant 1.000000e+00 : f32
          %div3A_522 = vector.broadcast %div3A_521 : f32 to vector<16xf32>
          %div3A_523 = arith.divf %div3A_522, %add3A_520 : vector<16xf32>
          %max3A_524 = arith.constant 9.99999993E-9 : f32
          %max3A_525 = vector.broadcast %max3A_524 : f32 to vector<16xf32>
          %max3A_526 = arith.maximumf %div3A_523, %max3A_525 : vector<16xf32>
          %sub3A_527 = arith.constant 1.000000e+00 : f32
          %sub3A_528 = vector.broadcast %sub3A_527 : f32 to vector<16xf32>
          %sub3A_529 = arith.subf %sub3A_528, %max3A_526 : vector<16xf32>
          %mul3A_530 = arith.mulf %sub3A_529, %sub3A_529 : vector<16xf32>
          %bitcast_convert_type3A_531 = tpu.bitcast %max3A_526 : vector<16xf32> -> vector<16xi32>
          %shift_right_arithmetic3A_532 = arith.constant 23 : i32
          %shift_right_arithmetic3A_533 = vector.broadcast %shift_right_arithmetic3A_532 : i32 to vector<16xi32>
          %shift_right_arithmetic3A_534 = arith.shrsi %bitcast_convert_type3A_531, %shift_right_arithmetic3A_533 : vector<16xi32>
          %convert_element_type3A_535 = arith.sitofp %shift_right_arithmetic3A_534 : vector<16xi32> to vector<16xf32>
          %and3A_536 = arith.constant 8388607 : i32
          %and3A_537 = vector.broadcast %and3A_536 : i32 to vector<16xi32>
          %and3A_538 = arith.andi %bitcast_convert_type3A_531, %and3A_537 : vector<16xi32>
          %or3A_539 = arith.constant 1065353216 : i32
          %or3A_540 = vector.broadcast %or3A_539 : i32 to vector<16xi32>
          %or3A_541 = arith.ori %and3A_538, %or3A_540 : vector<16xi32>
          %bitcast_convert_type3A_542 = tpu.bitcast %or3A_541 : vector<16xi32> -> vector<16xf32>
          %mul3A_543 = arith.constant 0.155514553 : f32
          %mul3A_544 = vector.broadcast %mul3A_543 : f32 to vector<16xf32>
          %mul3A_545 = arith.mulf %mul3A_544, %bitcast_convert_type3A_542 : vector<16xf32>
          %add3A_546 = arith.constant -1.03956878 : f32
          %add3A_547 = vector.broadcast %add3A_546 : f32 to vector<16xf32>
          %add3A_548 = arith.addf %mul3A_545, %add3A_547 : vector<16xf32>
          %mul3A_549 = arith.mulf %add3A_548, %bitcast_convert_type3A_542 : vector<16xf32>
          %add3A_550 = arith.constant 3.02993226 : f32
          %add3A_551 = vector.broadcast %add3A_550 : f32 to vector<16xf32>
          %add3A_552 = arith.addf %mul3A_549, %add3A_551 : vector<16xf32>
          %mul3A_553 = arith.mulf %add3A_552, %bitcast_convert_type3A_542 : vector<16xf32>
          %add3A_554 = arith.constant -129.145157 : f32
          %add3A_555 = vector.broadcast %add3A_554 : f32 to vector<16xf32>
          %add3A_556 = arith.addf %mul3A_553, %add3A_555 : vector<16xf32>
          %add3A_557 = arith.addf %convert_element_type3A_535, %add3A_556 : vector<16xf32>
          %mul3A_558 = arith.mulf %mul3A_530, %add3A_557 : vector<16xf32>
          %add3A_559 = arith.addf %add3A_493, %mul3A_558 : vector<16xf32>
          %scan3A_560 = arith.constant 6 : i32
          %scan3A_561 = arith.addi %scan3A_172, %scan3A_560 : i32
          %mul3A_562 = arith.constant 16 : i32
          %mul3A_563 = arith.muli %scan3A_561, %mul3A_562 : i32
          %get3A_564 = arith.index_cast %scan3A_164 : i32 to index
          %get3A_565 = arith.index_cast %mul3A_563 : i32 to index
          %get3A_566 = tpu.vector_load %arg5[%get3A_564, %get3A_565] {strides = array<i32>} : memref<32x512xf32, #tpu.memory_space<vmem>>, vector<1x16xf32>,
          %get3A_567 = vector.shape_cast %get3A_566 : vector<1x16xf32> to vector<16xf32>
          %get3A_568 = arith.index_cast %scan3A_164 : i32 to index
          %get3A_569 = arith.index_cast %mul3A_563 : i32 to index
          %get3A_570 = tpu.vector_load %arg6[%get3A_568, %get3A_569] {strides = array<i32>} : memref<32x512xf32, #tpu.memory_space<vmem>>, vector<1x16xf32>,
          %get3A_571 = vector.shape_cast %get3A_570 : vector<1x16xf32> to vector<16xf32>
          %get3A_572 = arith.index_cast %scan3A_164 : i32 to index
          %get3A_573 = arith.index_cast %mul3A_563 : i32 to index
          %get3A_574 = tpu.vector_load %arg7[%get3A_572, %get3A_573] {strides = array<i32>} : memref<32x512xi32, #tpu.memory_space<vmem>>, vector<1x16xi32>,
          %get3A_575 = vector.shape_cast %get3A_574 : vector<1x16xi32> to vector<16xi32>
          %sub3A_576 = arith.subf %get3A_571, %get3A_567 : vector<16xf32>
          %bitcast_convert_type3A_577 = tpu.bitcast %sub3A_576 : vector<16xf32> -> vector<16xi32>
          %shift_left3A_578 = arith.constant 31 : i32
          %shift_left3A_579 = vector.broadcast %shift_left3A_578 : i32 to vector<16xi32>
          %shift_left3A_580 = arith.shli %get3A_575, %shift_left3A_579 : vector<16xi32>
          %xor3A_581 = arith.xori %bitcast_convert_type3A_577, %shift_left3A_580 : vector<16xi32>
          %bitcast_convert_type3A_582 = tpu.bitcast %xor3A_581 : vector<16xi32> -> vector<16xf32>
          %exp3A_583 = math.exp %bitcast_convert_type3A_582 : vector<16xf32>
          %add3A_584 = arith.constant 1.000000e+00 : f32
          %add3A_585 = vector.broadcast %add3A_584 : f32 to vector<16xf32>
          %add3A_586 = arith.addf %add3A_585, %exp3A_583 : vector<16xf32>
          %div3A_587 = arith.constant 1.000000e+00 : f32
          %div3A_588 = vector.broadcast %div3A_587 : f32 to vector<16xf32>
          %div3A_589 = arith.divf %div3A_588, %add3A_586 : vector<16xf32>
          %max3A_590 = arith.constant 9.99999993E-9 : f32
          %max3A_591 = vector.broadcast %max3A_590 : f32 to vector<16xf32>
          %max3A_592 = arith.maximumf %div3A_589, %max3A_591 : vector<16xf32>
          %sub3A_593 = arith.constant 1.000000e+00 : f32
          %sub3A_594 = vector.broadcast %sub3A_593 : f32 to vector<16xf32>
          %sub3A_595 = arith.subf %sub3A_594, %max3A_592 : vector<16xf32>
          %mul3A_596 = arith.mulf %sub3A_595, %sub3A_595 : vector<16xf32>
          %bitcast_convert_type3A_597 = tpu.bitcast %max3A_592 : vector<16xf32> -> vector<16xi32>
          %shift_right_arithmetic3A_598 = arith.constant 23 : i32
          %shift_right_arithmetic3A_599 = vector.broadcast %shift_right_arithmetic3A_598 : i32 to vector<16xi32>
          %shift_right_arithmetic3A_600 = arith.shrsi %bitcast_convert_type3A_597, %shift_right_arithmetic3A_599 : vector<16xi32>
          %convert_element_type3A_601 = arith.sitofp %shift_right_arithmetic3A_600 : vector<16xi32> to vector<16xf32>
          %and3A_602 = arith.constant 8388607 : i32
          %and3A_603 = vector.broadcast %and3A_602 : i32 to vector<16xi32>
          %and3A_604 = arith.andi %bitcast_convert_type3A_597, %and3A_603 : vector<16xi32>
          %or3A_605 = arith.constant 1065353216 : i32
          %or3A_606 = vector.broadcast %or3A_605 : i32 to vector<16xi32>
          %or3A_607 = arith.ori %and3A_604, %or3A_606 : vector<16xi32>
          %bitcast_convert_type3A_608 = tpu.bitcast %or3A_607 : vector<16xi32> -> vector<16xf32>
          %mul3A_609 = arith.constant 0.155514553 : f32
          %mul3A_610 = vector.broadcast %mul3A_609 : f32 to vector<16xf32>
          %mul3A_611 = arith.mulf %mul3A_610, %bitcast_convert_type3A_608 : vector<16xf32>
          %add3A_612 = arith.constant -1.03956878 : f32
          %add3A_613 = vector.broadcast %add3A_612 : f32 to vector<16xf32>
          %add3A_614 = arith.addf %mul3A_611, %add3A_613 : vector<16xf32>
          %mul3A_615 = arith.mulf %add3A_614, %bitcast_convert_type3A_608 : vector<16xf32>
          %add3A_616 = arith.constant 3.02993226 : f32
          %add3A_617 = vector.broadcast %add3A_616 : f32 to vector<16xf32>
          %add3A_618 = arith.addf %mul3A_615, %add3A_617 : vector<16xf32>
          %mul3A_619 = arith.mulf %add3A_618, %bitcast_convert_type3A_608 : vector<16xf32>
          %add3A_620 = arith.constant -129.145157 : f32
          %add3A_621 = vector.broadcast %add3A_620 : f32 to vector<16xf32>
          %add3A_622 = arith.addf %mul3A_619, %add3A_621 : vector<16xf32>
          %add3A_623 = arith.addf %convert_element_type3A_601, %add3A_622 : vector<16xf32>
          %mul3A_624 = arith.mulf %mul3A_596, %add3A_623 : vector<16xf32>
          %add3A_625 = arith.addf %add3A_559, %mul3A_624 : vector<16xf32>
          %scan3A_626 = arith.constant 7 : i32
          %scan3A_627 = arith.addi %scan3A_172, %scan3A_626 : i32
          %mul3A_628 = arith.constant 16 : i32
          %mul3A_629 = arith.muli %scan3A_627, %mul3A_628 : i32
          %get3A_630 = arith.index_cast %scan3A_164 : i32 to index
          %get3A_631 = arith.index_cast %mul3A_629 : i32 to index
          %get3A_632 = tpu.vector_load %arg5[%get3A_630, %get3A_631] {strides = array<i32>} : memref<32x512xf32, #tpu.memory_space<vmem>>, vector<1x16xf32>,
          %get3A_633 = vector.shape_cast %get3A_632 : vector<1x16xf32> to vector<16xf32>
          %get3A_634 = arith.index_cast %scan3A_164 : i32 to index
          %get3A_635 = arith.index_cast %mul3A_629 : i32 to index
          %get3A_636 = tpu.vector_load %arg6[%get3A_634, %get3A_635] {strides = array<i32>} : memref<32x512xf32, #tpu.memory_space<vmem>>, vector<1x16xf32>,
          %get3A_637 = vector.shape_cast %get3A_636 : vector<1x16xf32> to vector<16xf32>
          %get3A_638 = arith.index_cast %scan3A_164 : i32 to index
          %get3A_639 = arith.index_cast %mul3A_629 : i32 to index
          %get3A_640 = tpu.vector_load %arg7[%get3A_638, %get3A_639] {strides = array<i32>} : memref<32x512xi32, #tpu.memory_space<vmem>>, vector<1x16xi32>,
          %get3A_641 = vector.shape_cast %get3A_640 : vector<1x16xi32> to vector<16xi32>
          %sub3A_642 = arith.subf %get3A_637, %get3A_633 : vector<16xf32>
          %bitcast_convert_type3A_643 = tpu.bitcast %sub3A_642 : vector<16xf32> -> vector<16xi32>
          %shift_left3A_644 = arith.constant 31 : i32
          %shift_left3A_645 = vector.broadcast %shift_left3A_644 : i32 to vector<16xi32>
          %shift_left3A_646 = arith.shli %get3A_641, %shift_left3A_645 : vector<16xi32>
          %xor3A_647 = arith.xori %bitcast_convert_type3A_643, %shift_left3A_646 : vector<16xi32>
          %bitcast_convert_type3A_648 = tpu.bitcast %xor3A_647 : vector<16xi32> -> vector<16xf32>
          %exp3A_649 = math.exp %bitcast_convert_type3A_648 : vector<16xf32>
          %add3A_650 = arith.constant 1.000000e+00 : f32
          %add3A_651 = vector.broadcast %add3A_650 : f32 to vector<16xf32>
          %add3A_652 = arith.addf %add3A_651, %exp3A_649 : vector<16xf32>
          %div3A_653 = arith.constant 1.000000e+00 : f32
          %div3A_654 = vector.broadcast %div3A_653 : f32 to vector<16xf32>
          %div3A_655 = arith.divf %div3A_654, %add3A_652 : vector<16xf32>
          %max3A_656 = arith.constant 9.99999993E-9 : f32
          %max3A_657 = vector.broadcast %max3A_656 : f32 to vector<16xf32>
          %max3A_658 = arith.maximumf %div3A_655, %max3A_657 : vector<16xf32>
          %sub3A_659 = arith.constant 1.000000e+00 : f32
          %sub3A_660 = vector.broadcast %sub3A_659 : f32 to vector<16xf32>
          %sub3A_661 = arith.subf %sub3A_660, %max3A_658 : vector<16xf32>
          %mul3A_662 = arith.mulf %sub3A_661, %sub3A_661 : vector<16xf32>
          %bitcast_convert_type3A_663 = tpu.bitcast %max3A_658 : vector<16xf32> -> vector<16xi32>
          %shift_right_arithmetic3A_664 = arith.constant 23 : i32
          %shift_right_arithmetic3A_665 = vector.broadcast %shift_right_arithmetic3A_664 : i32 to vector<16xi32>
          %shift_right_arithmetic3A_666 = arith.shrsi %bitcast_convert_type3A_663, %shift_right_arithmetic3A_665 : vector<16xi32>
          %convert_element_type3A_667 = arith.sitofp %shift_right_arithmetic3A_666 : vector<16xi32> to vector<16xf32>
          %and3A_668 = arith.constant 8388607 : i32
          %and3A_669 = vector.broadcast %and3A_668 : i32 to vector<16xi32>
          %and3A_670 = arith.andi %bitcast_convert_type3A_663, %and3A_669 : vector<16xi32>
          %or3A_671 = arith.constant 1065353216 : i32
          %or3A_672 = vector.broadcast %or3A_671 : i32 to vector<16xi32>
          %or3A_673 = arith.ori %and3A_670, %or3A_672 : vector<16xi32>
          %bitcast_convert_type3A_674 = tpu.bitcast %or3A_673 : vector<16xi32> -> vector<16xf32>
          %mul3A_675 = arith.constant 0.155514553 : f32
          %mul3A_676 = vector.broadcast %mul3A_675 : f32 to vector<16xf32>
          %mul3A_677 = arith.mulf %mul3A_676, %bitcast_convert_type3A_674 : vector<16xf32>
          %add3A_678 = arith.constant -1.03956878 : f32
          %add3A_679 = vector.broadcast %add3A_678 : f32 to vector<16xf32>
          %add3A_680 = arith.addf %mul3A_677, %add3A_679 : vector<16xf32>
          %mul3A_681 = arith.mulf %add3A_680, %bitcast_convert_type3A_674 : vector<16xf32>
          %add3A_682 = arith.constant 3.02993226 : f32
          %add3A_683 = vector.broadcast %add3A_682 : f32 to vector<16xf32>
          %add3A_684 = arith.addf %mul3A_681, %add3A_683 : vector<16xf32>
          %mul3A_685 = arith.mulf %add3A_684, %bitcast_convert_type3A_674 : vector<16xf32>
          %add3A_686 = arith.constant -129.145157 : f32
          %add3A_687 = vector.broadcast %add3A_686 : f32 to vector<16xf32>
          %add3A_688 = arith.addf %mul3A_685, %add3A_687 : vector<16xf32>
          %add3A_689 = arith.addf %convert_element_type3A_667, %add3A_688 : vector<16xf32>
          %mul3A_690 = arith.mulf %mul3A_662, %add3A_689 : vector<16xf32>
          %add3A_691 = arith.addf %add3A_625, %mul3A_690 : vector<16xf32>
          scf.yield %add3A_691 : vector<16xf32>
        }
        %scan3A_171 = arith.constant 32 : i32
        scf.yield %scan3A_170 : vector<16xf32>
      }
      %scan3A_125 = arith.constant 32 : i32
      %lt3A_126 = arith.constant 1 : i32
      %lt3A_127 = arith.cmpi slt, %scan3A_63, %lt3A_126 : i32
      %convert_element_type3A = arith.extui %lt3A_127 : i1 to i32
      %cond3A = arith.constant 0 : i32
      %cond3A_128 = arith.cmpi ne, %convert_element_type3A, %cond3A : i32
      scf.if %cond3A_128 {
        %mul3A_164 = arith.constant 2 : i32
        %mul3A_165 = arith.muli %mul3A_164, %scan3A_63 : i32
        %add3A_166 = arith.constant 2 : i32
        %add3A_167 = arith.addi %mul3A_165, %add3A_166 : i32
        %mul3A_168 = arith.constant 32 : i32
        %mul3A_169 = arith.muli %add3A_167, %mul3A_168 : i32
        %add3A_170 = arith.addi %mul3A_32, %mul3A_169 : i32
        %dma_start3A_171 = arith.constant 0 : i32
        %dma_start3A_172 = arith.constant 0 : i32
        %dma_start3A_173 = tpu.memref_slice %arg2[%select_n3A, %dma_start3A_171, %add3A_170, %dma_start3A_172] : memref<16x2x512x512xf32, #tpu.memory_space<hbm>> -> memref<1x1x32x512xf32, #tpu.memory_space<hbm>>
        %dma_start3A_174 = tpu.memref_squeeze %dma_start3A_173 : memref<1x1x32x512xf32, #tpu.memory_space<hbm>> -> memref<32x512xf32, #tpu.memory_space<hbm>>
        %dma_start3A_175 = arith.constant 0 : i32
        %dma_start3A_176 = tpu.memref_slice %arg2[%select_n3A, %dma_start3A_171, %add3A_170, %dma_start3A_175] : memref<16x2x512x512xf32, #tpu.memory_space<hbm>> -> memref<1x1x32x512xf32, #tpu.memory_space<hbm>>
        %dma_start3A_177 = tpu.memref_squeeze %dma_start3A_176 : memref<1x1x32x512xf32, #tpu.memory_space<hbm>> -> memref<32x512xf32, #tpu.memory_space<hbm>>
        tpu.enqueue_dma source(%dma_start3A_177 : memref<32x512xf32, #tpu.memory_space<hbm>>) target(%arg5 : memref<32x512xf32, #tpu.memory_space<vmem>>) target_semaphore(%arg12 : memref<!tpu.dma_semaphore, #tpu.memory_space<semaphore_mem>>)
        %dma_start3A_178 = arith.constant 1 : i32
        %dma_start3A_179 = arith.constant 0 : i32
        %dma_start3A_180 = tpu.memref_slice %arg2[%select_n3A, %dma_start3A_178, %add3A_170, %dma_start3A_179] : memref<16x2x512x512xf32, #tpu.memory_space<hbm>> -> memref<1x1x32x512xf32, #tpu.memory_space<hbm>>
        %dma_start3A_181 = tpu.memref_squeeze %dma_start3A_180 : memref<1x1x32x512xf32, #tpu.memory_space<hbm>> -> memref<32x512xf32, #tpu.memory_space<hbm>>
        %dma_start3A_182 = arith.constant 0 : i32
        %dma_start3A_183 = tpu.memref_slice %arg2[%select_n3A, %dma_start3A_178, %add3A_170, %dma_start3A_182] : memref<16x2x512x512xf32, #tpu.memory_space<hbm>> -> memref<1x1x32x512xf32, #tpu.memory_space<hbm>>
        %dma_start3A_184 = tpu.memref_squeeze %dma_start3A_183 : memref<1x1x32x512xf32, #tpu.memory_space<hbm>> -> memref<32x512xf32, #tpu.memory_space<hbm>>
        tpu.enqueue_dma source(%dma_start3A_184 : memref<32x512xf32, #tpu.memory_space<hbm>>) target(%arg6 : memref<32x512xf32, #tpu.memory_space<vmem>>) target_semaphore(%arg13 : memref<!tpu.dma_semaphore, #tpu.memory_space<semaphore_mem>>)
        %dma_start3A_185 = arith.constant 0 : i32
        %dma_start3A_186 = tpu.memref_slice %arg3[%select_n3A, %add3A_170, %dma_start3A_185] : memref<16x512x512xi32, #tpu.memory_space<hbm>> -> memref<1x32x512xi32, #tpu.memory_space<hbm>>
        %dma_start3A_187 = tpu.memref_squeeze %dma_start3A_186 : memref<1x32x512xi32, #tpu.memory_space<hbm>> -> memref<32x512xi32, #tpu.memory_space<hbm>>
        %dma_start3A_188 = arith.constant 0 : i32
        %dma_start3A_189 = tpu.memref_slice %arg3[%select_n3A, %add3A_170, %dma_start3A_188] : memref<16x512x512xi32, #tpu.memory_space<hbm>> -> memref<1x32x512xi32, #tpu.memory_space<hbm>>
        %dma_start3A_190 = tpu.memref_squeeze %dma_start3A_189 : memref<1x32x512xi32, #tpu.memory_space<hbm>> -> memref<32x512xi32, #tpu.memory_space<hbm>>
        tpu.enqueue_dma source(%dma_start3A_190 : memref<32x512xi32, #tpu.memory_space<hbm>>) target(%arg7 : memref<32x512xi32, #tpu.memory_space<vmem>>) target_semaphore(%arg14 : memref<!tpu.dma_semaphore, #tpu.memory_space<semaphore_mem>>)
      } else {
      }
      %dma_wait3A_129 = arith.constant 0 : i32
      %dma_wait3A_130 = arith.constant 0 : i32
      %dma_wait3A_131 = arith.constant 0 : i32
      %dma_wait3A_132 = arith.constant 0 : i32
      %dma_wait3A_133 = tpu.memref_slice %arg2[%dma_wait3A_129, %dma_wait3A_130, %dma_wait3A_131, %dma_wait3A_132] : memref<16x2x512x512xf32, #tpu.memory_space<hbm>> -> memref<1x1x32x512xf32, #tpu.memory_space<hbm>>
      %dma_wait3A_134 = tpu.memref_squeeze %dma_wait3A_133 : memref<1x1x32x512xf32, #tpu.memory_space<hbm>> -> memref<32x512xf32, #tpu.memory_space<hbm>>
      %dma_wait3A_135 = arith.constant 0 : i32
      %dma_wait3A_136 = arith.constant 0 : i32
      %dma_wait3A_137 = tpu.memref_slice %arg2[%dma_wait3A_129, %dma_wait3A_130, %dma_wait3A_135, %dma_wait3A_136] : memref<16x2x512x512xf32, #tpu.memory_space<hbm>> -> memref<1x1x32x512xf32, #tpu.memory_space<hbm>>
      %dma_wait3A_138 = tpu.memref_squeeze %dma_wait3A_137 : memref<1x1x32x512xf32, #tpu.memory_space<hbm>> -> memref<32x512xf32, #tpu.memory_space<hbm>>
      tpu.wait_dma2 semaphore(%arg15 : memref<!tpu.dma_semaphore, #tpu.memory_space<semaphore_mem>>) src(%dma_wait3A_138 : memref<32x512xf32, #tpu.memory_space<hbm>>) dst(%arg8 : memref<32x512xf32, #tpu.memory_space<vmem>>)
      %dma_wait3A_139 = arith.constant 0 : i32
      %dma_wait3A_140 = arith.constant 1 : i32
      %dma_wait3A_141 = arith.constant 0 : i32
      %dma_wait3A_142 = arith.constant 0 : i32
      %dma_wait3A_143 = tpu.memref_slice %arg2[%dma_wait3A_139, %dma_wait3A_140, %dma_wait3A_141, %dma_wait3A_142] : memref<16x2x512x512xf32, #tpu.memory_space<hbm>> -> memref<1x1x32x512xf32, #tpu.memory_space<hbm>>
      %dma_wait3A_144 = tpu.memref_squeeze %dma_wait3A_143 : memref<1x1x32x512xf32, #tpu.memory_space<hbm>> -> memref<32x512xf32, #tpu.memory_space<hbm>>
      %dma_wait3A_145 = arith.constant 0 : i32
      %dma_wait3A_146 = arith.constant 0 : i32
      %dma_wait3A_147 = tpu.memref_slice %arg2[%dma_wait3A_139, %dma_wait3A_140, %dma_wait3A_145, %dma_wait3A_146] : memref<16x2x512x512xf32, #tpu.memory_space<hbm>> -> memref<1x1x32x512xf32, #tpu.memory_space<hbm>>
      %dma_wait3A_148 = tpu.memref_squeeze %dma_wait3A_147 : memref<1x1x32x512xf32, #tpu.memory_space<hbm>> -> memref<32x512xf32, #tpu.memory_space<hbm>>
      tpu.wait_dma2 semaphore(%arg16 : memref<!tpu.dma_semaphore, #tpu.memory_space<semaphore_mem>>) src(%dma_wait3A_148 : memref<32x512xf32, #tpu.memory_space<hbm>>) dst(%arg9 : memref<32x512xf32, #tpu.memory_space<vmem>>)
      %dma_wait3A_149 = arith.constant 0 : i32
      %dma_wait3A_150 = arith.constant 0 : i32
      %dma_wait3A_151 = arith.constant 0 : i32
      %dma_wait3A_152 = tpu.memref_slice %arg3[%dma_wait3A_149, %dma_wait3A_150, %dma_wait3A_151] : memref<16x512x512xi32, #tpu.memory_space<hbm>> -> memref<1x32x512xi32, #tpu.memory_space<hbm>>
      %dma_wait3A_153 = tpu.memref_squeeze %dma_wait3A_152 : memref<1x32x512xi32, #tpu.memory_space<hbm>> -> memref<32x512xi32, #tpu.memory_space<hbm>>
      %dma_wait3A_154 = arith.constant 0 : i32
      %dma_wait3A_155 = arith.constant 0 : i32
      %dma_wait3A_156 = tpu.memref_slice %arg3[%dma_wait3A_149, %dma_wait3A_154, %dma_wait3A_155] : memref<16x512x512xi32, #tpu.memory_space<hbm>> -> memref<1x32x512xi32, #tpu.memory_space<hbm>>
      %dma_wait3A_157 = tpu.memref_squeeze %dma_wait3A_156 : memref<1x32x512xi32, #tpu.memory_space<hbm>> -> memref<32x512xi32, #tpu.memory_space<hbm>>
      tpu.wait_dma2 semaphore(%arg17 : memref<!tpu.dma_semaphore, #tpu.memory_space<semaphore_mem>>) src(%dma_wait3A_157 : memref<32x512xi32, #tpu.memory_space<hbm>>) dst(%arg10 : memref<32x512xi32, #tpu.memory_space<vmem>>)
      %scan3A_158 = arith.constant 0 : i32
      %scan3A_159 = arith.constant 32 : i32
      %scan3A_160 = arith.addi %scan3A_158, %scan3A_159 : i32
      %scan3A_161 = arith.constant 1 : i32
      %scan3A_162 = scf.for %scan3A_164 = %scan3A_158 to %scan3A_160 step %scan3A_161 iter_args(%scan3A_165 = %scan3A_124) -> (vector<16xf32>)  : i32 {
        %scan3A_166 = arith.constant 0 : i32
        %scan3A_167 = arith.constant 32 : i32
        %scan3A_168 = arith.addi %scan3A_166, %scan3A_167 : i32
        %scan3A_169 = arith.constant 8 : i32
        %scan3A_170 = scf.for %scan3A_172 = %scan3A_166 to %scan3A_168 step %scan3A_169 iter_args(%scan3A_173 = %scan3A_165) -> (vector<16xf32>)  : i32 {
          %mul3A_174 = arith.constant 16 : i32
          %mul3A_175 = arith.muli %scan3A_172, %mul3A_174 : i32
          %get3A = arith.index_cast %scan3A_164 : i32 to index
          %get3A_176 = arith.index_cast %mul3A_175 : i32 to index
          %get3A_177 = tpu.vector_load %arg8[%get3A, %get3A_176] {strides = array<i32>} : memref<32x512xf32, #tpu.memory_space<vmem>>, vector<1x16xf32>,
          %get3A_178 = vector.shape_cast %get3A_177 : vector<1x16xf32> to vector<16xf32>
          %get3A_179 = arith.index_cast %scan3A_164 : i32 to index
          %get3A_180 = arith.index_cast %mul3A_175 : i32 to index
          %get3A_181 = tpu.vector_load %arg9[%get3A_179, %get3A_180] {strides = array<i32>} : memref<32x512xf32, #tpu.memory_space<vmem>>, vector<1x16xf32>,
          %get3A_182 = vector.shape_cast %get3A_181 : vector<1x16xf32> to vector<16xf32>
          %get3A_183 = arith.index_cast %scan3A_164 : i32 to index
          %get3A_184 = arith.index_cast %mul3A_175 : i32 to index
          %get3A_185 = tpu.vector_load %arg10[%get3A_183, %get3A_184] {strides = array<i32>} : memref<32x512xi32, #tpu.memory_space<vmem>>, vector<1x16xi32>,
          %get3A_186 = vector.shape_cast %get3A_185 : vector<1x16xi32> to vector<16xi32>
          %sub3A_187 = arith.subf %get3A_182, %get3A_178 : vector<16xf32>
          %bitcast_convert_type3A = tpu.bitcast %sub3A_187 : vector<16xf32> -> vector<16xi32>
          %shift_left3A = arith.constant 31 : i32
          %shift_left3A_188 = vector.broadcast %shift_left3A : i32 to vector<16xi32>
          %shift_left3A_189 = arith.shli %get3A_186, %shift_left3A_188 : vector<16xi32>
          %xor3A = arith.xori %bitcast_convert_type3A, %shift_left3A_189 : vector<16xi32>
          %bitcast_convert_type3A_190 = tpu.bitcast %xor3A : vector<16xi32> -> vector<16xf32>
          %exp3A = math.exp %bitcast_convert_type3A_190 : vector<16xf32>
          %add3A_191 = arith.constant 1.000000e+00 : f32
          %add3A_192 = vector.broadcast %add3A_191 : f32 to vector<16xf32>
          %add3A_193 = arith.addf %add3A_192, %exp3A : vector<16xf32>
          %div3A_194 = arith.constant 1.000000e+00 : f32
          %div3A_195 = vector.broadcast %div3A_194 : f32 to vector<16xf32>
          %div3A_196 = arith.divf %div3A_195, %add3A_193 : vector<16xf32>
          %max3A = arith.constant 9.99999993E-9 : f32
          %max3A_197 = vector.broadcast %max3A : f32 to vector<16xf32>
          %max3A_198 = arith.maximumf %div3A_196, %max3A_197 : vector<16xf32>
          %sub3A_199 = arith.constant 1.000000e+00 : f32
          %sub3A_200 = vector.broadcast %sub3A_199 : f32 to vector<16xf32>
          %sub3A_201 = arith.subf %sub3A_200, %max3A_198 : vector<16xf32>
          %mul3A_202 = arith.mulf %sub3A_201, %sub3A_201 : vector<16xf32>
          %bitcast_convert_type3A_203 = tpu.bitcast %max3A_198 : vector<16xf32> -> vector<16xi32>
          %shift_right_arithmetic3A = arith.constant 23 : i32
          %shift_right_arithmetic3A_204 = vector.broadcast %shift_right_arithmetic3A : i32 to vector<16xi32>
          %shift_right_arithmetic3A_205 = arith.shrsi %bitcast_convert_type3A_203, %shift_right_arithmetic3A_204 : vector<16xi32>
          %convert_element_type3A_206 = arith.sitofp %shift_right_arithmetic3A_205 : vector<16xi32> to vector<16xf32>
          %and3A_207 = arith.constant 8388607 : i32
          %and3A_208 = vector.broadcast %and3A_207 : i32 to vector<16xi32>
          %and3A_209 = arith.andi %bitcast_convert_type3A_203, %and3A_208 : vector<16xi32>
          %or3A = arith.constant 1065353216 : i32
          %or3A_210 = vector.broadcast %or3A : i32 to vector<16xi32>
          %or3A_211 = arith.ori %and3A_209, %or3A_210 : vector<16xi32>
          %bitcast_convert_type3A_212 = tpu.bitcast %or3A_211 : vector<16xi32> -> vector<16xf32>
          %mul3A_213 = arith.constant 0.155514553 : f32
          %mul3A_214 = vector.broadcast %mul3A_213 : f32 to vector<16xf32>
          %mul3A_215 = arith.mulf %mul3A_214, %bitcast_convert_type3A_212 : vector<16xf32>
          %add3A_216 = arith.constant -1.03956878 : f32
          %add3A_217 = vector.broadcast %add3A_216 : f32 to vector<16xf32>
          %add3A_218 = arith.addf %mul3A_215, %add3A_217 : vector<16xf32>
          %mul3A_219 = arith.mulf %add3A_218, %bitcast_convert_type3A_212 : vector<16xf32>
          %add3A_220 = arith.constant 3.02993226 : f32
          %add3A_221 = vector.broadcast %add3A_220 : f32 to vector<16xf32>
          %add3A_222 = arith.addf %mul3A_219, %add3A_221 : vector<16xf32>
          %mul3A_223 = arith.mulf %add3A_222, %bitcast_convert_type3A_212 : vector<16xf32>
          %add3A_224 = arith.constant -129.145157 : f32
          %add3A_225 = vector.broadcast %add3A_224 : f32 to vector<16xf32>
          %add3A_226 = arith.addf %mul3A_223, %add3A_225 : vector<16xf32>
          %add3A_227 = arith.addf %convert_element_type3A_206, %add3A_226 : vector<16xf32>
          %mul3A_228 = arith.mulf %mul3A_202, %add3A_227 : vector<16xf32>
          %add3A_229 = arith.addf %scan3A_173, %mul3A_228 : vector<16xf32>
          %scan3A_230 = arith.constant 1 : i32
          %scan3A_231 = arith.addi %scan3A_172, %scan3A_230 : i32
          %mul3A_232 = arith.constant 16 : i32
          %mul3A_233 = arith.muli %scan3A_231, %mul3A_232 : i32
          %get3A_234 = arith.index_cast %scan3A_164 : i32 to index
          %get3A_235 = arith.index_cast %mul3A_233 : i32 to index
          %get3A_236 = tpu.vector_load %arg8[%get3A_234, %get3A_235] {strides = array<i32>} : memref<32x512xf32, #tpu.memory_space<vmem>>, vector<1x16xf32>,
          %get3A_237 = vector.shape_cast %get3A_236 : vector<1x16xf32> to vector<16xf32>
          %get3A_238 = arith.index_cast %scan3A_164 : i32 to index
          %get3A_239 = arith.index_cast %mul3A_233 : i32 to index
          %get3A_240 = tpu.vector_load %arg9[%get3A_238, %get3A_239] {strides = array<i32>} : memref<32x512xf32, #tpu.memory_space<vmem>>, vector<1x16xf32>,
          %get3A_241 = vector.shape_cast %get3A_240 : vector<1x16xf32> to vector<16xf32>
          %get3A_242 = arith.index_cast %scan3A_164 : i32 to index
          %get3A_243 = arith.index_cast %mul3A_233 : i32 to index
          %get3A_244 = tpu.vector_load %arg10[%get3A_242, %get3A_243] {strides = array<i32>} : memref<32x512xi32, #tpu.memory_space<vmem>>, vector<1x16xi32>,
          %get3A_245 = vector.shape_cast %get3A_244 : vector<1x16xi32> to vector<16xi32>
          %sub3A_246 = arith.subf %get3A_241, %get3A_237 : vector<16xf32>
          %bitcast_convert_type3A_247 = tpu.bitcast %sub3A_246 : vector<16xf32> -> vector<16xi32>
          %shift_left3A_248 = arith.constant 31 : i32
          %shift_left3A_249 = vector.broadcast %shift_left3A_248 : i32 to vector<16xi32>
          %shift_left3A_250 = arith.shli %get3A_245, %shift_left3A_249 : vector<16xi32>
          %xor3A_251 = arith.xori %bitcast_convert_type3A_247, %shift_left3A_250 : vector<16xi32>
          %bitcast_convert_type3A_252 = tpu.bitcast %xor3A_251 : vector<16xi32> -> vector<16xf32>
          %exp3A_253 = math.exp %bitcast_convert_type3A_252 : vector<16xf32>
          %add3A_254 = arith.constant 1.000000e+00 : f32
          %add3A_255 = vector.broadcast %add3A_254 : f32 to vector<16xf32>
          %add3A_256 = arith.addf %add3A_255, %exp3A_253 : vector<16xf32>
          %div3A_257 = arith.constant 1.000000e+00 : f32
          %div3A_258 = vector.broadcast %div3A_257 : f32 to vector<16xf32>
          %div3A_259 = arith.divf %div3A_258, %add3A_256 : vector<16xf32>
          %max3A_260 = arith.constant 9.99999993E-9 : f32
          %max3A_261 = vector.broadcast %max3A_260 : f32 to vector<16xf32>
          %max3A_262 = arith.maximumf %div3A_259, %max3A_261 : vector<16xf32>
          %sub3A_263 = arith.constant 1.000000e+00 : f32
          %sub3A_264 = vector.broadcast %sub3A_263 : f32 to vector<16xf32>
          %sub3A_265 = arith.subf %sub3A_264, %max3A_262 : vector<16xf32>
          %mul3A_266 = arith.mulf %sub3A_265, %sub3A_265 : vector<16xf32>
          %bitcast_convert_type3A_267 = tpu.bitcast %max3A_262 : vector<16xf32> -> vector<16xi32>
          %shift_right_arithmetic3A_268 = arith.constant 23 : i32
          %shift_right_arithmetic3A_269 = vector.broadcast %shift_right_arithmetic3A_268 : i32 to vector<16xi32>
          %shift_right_arithmetic3A_270 = arith.shrsi %bitcast_convert_type3A_267, %shift_right_arithmetic3A_269 : vector<16xi32>
          %convert_element_type3A_271 = arith.sitofp %shift_right_arithmetic3A_270 : vector<16xi32> to vector<16xf32>
          %and3A_272 = arith.constant 8388607 : i32
          %and3A_273 = vector.broadcast %and3A_272 : i32 to vector<16xi32>
          %and3A_274 = arith.andi %bitcast_convert_type3A_267, %and3A_273 : vector<16xi32>
          %or3A_275 = arith.constant 1065353216 : i32
          %or3A_276 = vector.broadcast %or3A_275 : i32 to vector<16xi32>
          %or3A_277 = arith.ori %and3A_274, %or3A_276 : vector<16xi32>
          %bitcast_convert_type3A_278 = tpu.bitcast %or3A_277 : vector<16xi32> -> vector<16xf32>
          %mul3A_279 = arith.constant 0.155514553 : f32
          %mul3A_280 = vector.broadcast %mul3A_279 : f32 to vector<16xf32>
          %mul3A_281 = arith.mulf %mul3A_280, %bitcast_convert_type3A_278 : vector<16xf32>
          %add3A_282 = arith.constant -1.03956878 : f32
          %add3A_283 = vector.broadcast %add3A_282 : f32 to vector<16xf32>
          %add3A_284 = arith.addf %mul3A_281, %add3A_283 : vector<16xf32>
          %mul3A_285 = arith.mulf %add3A_284, %bitcast_convert_type3A_278 : vector<16xf32>
          %add3A_286 = arith.constant 3.02993226 : f32
          %add3A_287 = vector.broadcast %add3A_286 : f32 to vector<16xf32>
          %add3A_288 = arith.addf %mul3A_285, %add3A_287 : vector<16xf32>
          %mul3A_289 = arith.mulf %add3A_288, %bitcast_convert_type3A_278 : vector<16xf32>
          %add3A_290 = arith.constant -129.145157 : f32
          %add3A_291 = vector.broadcast %add3A_290 : f32 to vector<16xf32>
          %add3A_292 = arith.addf %mul3A_289, %add3A_291 : vector<16xf32>
          %add3A_293 = arith.addf %convert_element_type3A_271, %add3A_292 : vector<16xf32>
          %mul3A_294 = arith.mulf %mul3A_266, %add3A_293 : vector<16xf32>
          %add3A_295 = arith.addf %add3A_229, %mul3A_294 : vector<16xf32>
          %scan3A_296 = arith.constant 2 : i32
          %scan3A_297 = arith.addi %scan3A_172, %scan3A_296 : i32
          %mul3A_298 = arith.constant 16 : i32
          %mul3A_299 = arith.muli %scan3A_297, %mul3A_298 : i32
          %get3A_300 = arith.index_cast %scan3A_164 : i32 to index
          %get3A_301 = arith.index_cast %mul3A_299 : i32 to index
          %get3A_302 = tpu.vector_load %arg8[%get3A_300, %get3A_301] {strides = array<i32>} : memref<32x512xf32, #tpu.memory_space<vmem>>, vector<1x16xf32>,
          %get3A_303 = vector.shape_cast %get3A_302 : vector<1x16xf32> to vector<16xf32>
          %get3A_304 = arith.index_cast %scan3A_164 : i32 to index
          %get3A_305 = arith.index_cast %mul3A_299 : i32 to index
          %get3A_306 = tpu.vector_load %arg9[%get3A_304, %get3A_305] {strides = array<i32>} : memref<32x512xf32, #tpu.memory_space<vmem>>, vector<1x16xf32>,
          %get3A_307 = vector.shape_cast %get3A_306 : vector<1x16xf32> to vector<16xf32>
          %get3A_308 = arith.index_cast %scan3A_164 : i32 to index
          %get3A_309 = arith.index_cast %mul3A_299 : i32 to index
          %get3A_310 = tpu.vector_load %arg10[%get3A_308, %get3A_309] {strides = array<i32>} : memref<32x512xi32, #tpu.memory_space<vmem>>, vector<1x16xi32>,
          %get3A_311 = vector.shape_cast %get3A_310 : vector<1x16xi32> to vector<16xi32>
          %sub3A_312 = arith.subf %get3A_307, %get3A_303 : vector<16xf32>
          %bitcast_convert_type3A_313 = tpu.bitcast %sub3A_312 : vector<16xf32> -> vector<16xi32>
          %shift_left3A_314 = arith.constant 31 : i32
          %shift_left3A_315 = vector.broadcast %shift_left3A_314 : i32 to vector<16xi32>
          %shift_left3A_316 = arith.shli %get3A_311, %shift_left3A_315 : vector<16xi32>
          %xor3A_317 = arith.xori %bitcast_convert_type3A_313, %shift_left3A_316 : vector<16xi32>
          %bitcast_convert_type3A_318 = tpu.bitcast %xor3A_317 : vector<16xi32> -> vector<16xf32>
          %exp3A_319 = math.exp %bitcast_convert_type3A_318 : vector<16xf32>
          %add3A_320 = arith.constant 1.000000e+00 : f32
          %add3A_321 = vector.broadcast %add3A_320 : f32 to vector<16xf32>
          %add3A_322 = arith.addf %add3A_321, %exp3A_319 : vector<16xf32>
          %div3A_323 = arith.constant 1.000000e+00 : f32
          %div3A_324 = vector.broadcast %div3A_323 : f32 to vector<16xf32>
          %div3A_325 = arith.divf %div3A_324, %add3A_322 : vector<16xf32>
          %max3A_326 = arith.constant 9.99999993E-9 : f32
          %max3A_327 = vector.broadcast %max3A_326 : f32 to vector<16xf32>
          %max3A_328 = arith.maximumf %div3A_325, %max3A_327 : vector<16xf32>
          %sub3A_329 = arith.constant 1.000000e+00 : f32
          %sub3A_330 = vector.broadcast %sub3A_329 : f32 to vector<16xf32>
          %sub3A_331 = arith.subf %sub3A_330, %max3A_328 : vector<16xf32>
          %mul3A_332 = arith.mulf %sub3A_331, %sub3A_331 : vector<16xf32>
          %bitcast_convert_type3A_333 = tpu.bitcast %max3A_328 : vector<16xf32> -> vector<16xi32>
          %shift_right_arithmetic3A_334 = arith.constant 23 : i32
          %shift_right_arithmetic3A_335 = vector.broadcast %shift_right_arithmetic3A_334 : i32 to vector<16xi32>
          %shift_right_arithmetic3A_336 = arith.shrsi %bitcast_convert_type3A_333, %shift_right_arithmetic3A_335 : vector<16xi32>
          %convert_element_type3A_337 = arith.sitofp %shift_right_arithmetic3A_336 : vector<16xi32> to vector<16xf32>
          %and3A_338 = arith.constant 8388607 : i32
          %and3A_339 = vector.broadcast %and3A_338 : i32 to vector<16xi32>
          %and3A_340 = arith.andi %bitcast_convert_type3A_333, %and3A_339 : vector<16xi32>
          %or3A_341 = arith.constant 1065353216 : i32
          %or3A_342 = vector.broadcast %or3A_341 : i32 to vector<16xi32>
          %or3A_343 = arith.ori %and3A_340, %or3A_342 : vector<16xi32>
          %bitcast_convert_type3A_344 = tpu.bitcast %or3A_343 : vector<16xi32> -> vector<16xf32>
          %mul3A_345 = arith.constant 0.155514553 : f32
          %mul3A_346 = vector.broadcast %mul3A_345 : f32 to vector<16xf32>
          %mul3A_347 = arith.mulf %mul3A_346, %bitcast_convert_type3A_344 : vector<16xf32>
          %add3A_348 = arith.constant -1.03956878 : f32
          %add3A_349 = vector.broadcast %add3A_348 : f32 to vector<16xf32>
          %add3A_350 = arith.addf %mul3A_347, %add3A_349 : vector<16xf32>
          %mul3A_351 = arith.mulf %add3A_350, %bitcast_convert_type3A_344 : vector<16xf32>
          %add3A_352 = arith.constant 3.02993226 : f32
          %add3A_353 = vector.broadcast %add3A_352 : f32 to vector<16xf32>
          %add3A_354 = arith.addf %mul3A_351, %add3A_353 : vector<16xf32>
          %mul3A_355 = arith.mulf %add3A_354, %bitcast_convert_type3A_344 : vector<16xf32>
          %add3A_356 = arith.constant -129.145157 : f32
          %add3A_357 = vector.broadcast %add3A_356 : f32 to vector<16xf32>
          %add3A_358 = arith.addf %mul3A_355, %add3A_357 : vector<16xf32>
          %add3A_359 = arith.addf %convert_element_type3A_337, %add3A_358 : vector<16xf32>
          %mul3A_360 = arith.mulf %mul3A_332, %add3A_359 : vector<16xf32>
          %add3A_361 = arith.addf %add3A_295, %mul3A_360 : vector<16xf32>
          %scan3A_362 = arith.constant 3 : i32
          %scan3A_363 = arith.addi %scan3A_172, %scan3A_362 : i32
          %mul3A_364 = arith.constant 16 : i32
          %mul3A_365 = arith.muli %scan3A_363, %mul3A_364 : i32
          %get3A_366 = arith.index_cast %scan3A_164 : i32 to index
          %get3A_367 = arith.index_cast %mul3A_365 : i32 to index
          %get3A_368 = tpu.vector_load %arg8[%get3A_366, %get3A_367] {strides = array<i32>} : memref<32x512xf32, #tpu.memory_space<vmem>>, vector<1x16xf32>,
          %get3A_369 = vector.shape_cast %get3A_368 : vector<1x16xf32> to vector<16xf32>
          %get3A_370 = arith.index_cast %scan3A_164 : i32 to index
          %get3A_371 = arith.index_cast %mul3A_365 : i32 to index
          %get3A_372 = tpu.vector_load %arg9[%get3A_370, %get3A_371] {strides = array<i32>} : memref<32x512xf32, #tpu.memory_space<vmem>>, vector<1x16xf32>,
          %get3A_373 = vector.shape_cast %get3A_372 : vector<1x16xf32> to vector<16xf32>
          %get3A_374 = arith.index_cast %scan3A_164 : i32 to index
          %get3A_375 = arith.index_cast %mul3A_365 : i32 to index
          %get3A_376 = tpu.vector_load %arg10[%get3A_374, %get3A_375] {strides = array<i32>} : memref<32x512xi32, #tpu.memory_space<vmem>>, vector<1x16xi32>,
          %get3A_377 = vector.shape_cast %get3A_376 : vector<1x16xi32> to vector<16xi32>
          %sub3A_378 = arith.subf %get3A_373, %get3A_369 : vector<16xf32>
          %bitcast_convert_type3A_379 = tpu.bitcast %sub3A_378 : vector<16xf32> -> vector<16xi32>
          %shift_left3A_380 = arith.constant 31 : i32
          %shift_left3A_381 = vector.broadcast %shift_left3A_380 : i32 to vector<16xi32>
          %shift_left3A_382 = arith.shli %get3A_377, %shift_left3A_381 : vector<16xi32>
          %xor3A_383 = arith.xori %bitcast_convert_type3A_379, %shift_left3A_382 : vector<16xi32>
          %bitcast_convert_type3A_384 = tpu.bitcast %xor3A_383 : vector<16xi32> -> vector<16xf32>
          %exp3A_385 = math.exp %bitcast_convert_type3A_384 : vector<16xf32>
          %add3A_386 = arith.constant 1.000000e+00 : f32
          %add3A_387 = vector.broadcast %add3A_386 : f32 to vector<16xf32>
          %add3A_388 = arith.addf %add3A_387, %exp3A_385 : vector<16xf32>
          %div3A_389 = arith.constant 1.000000e+00 : f32
          %div3A_390 = vector.broadcast %div3A_389 : f32 to vector<16xf32>
          %div3A_391 = arith.divf %div3A_390, %add3A_388 : vector<16xf32>
          %max3A_392 = arith.constant 9.99999993E-9 : f32
          %max3A_393 = vector.broadcast %max3A_392 : f32 to vector<16xf32>
          %max3A_394 = arith.maximumf %div3A_391, %max3A_393 : vector<16xf32>
          %sub3A_395 = arith.constant 1.000000e+00 : f32
          %sub3A_396 = vector.broadcast %sub3A_395 : f32 to vector<16xf32>
          %sub3A_397 = arith.subf %sub3A_396, %max3A_394 : vector<16xf32>
          %mul3A_398 = arith.mulf %sub3A_397, %sub3A_397 : vector<16xf32>
          %bitcast_convert_type3A_399 = tpu.bitcast %max3A_394 : vector<16xf32> -> vector<16xi32>
          %shift_right_arithmetic3A_400 = arith.constant 23 : i32
          %shift_right_arithmetic3A_401 = vector.broadcast %shift_right_arithmetic3A_400 : i32 to vector<16xi32>
          %shift_right_arithmetic3A_402 = arith.shrsi %bitcast_convert_type3A_399, %shift_right_arithmetic3A_401 : vector<16xi32>
          %convert_element_type3A_403 = arith.sitofp %shift_right_arithmetic3A_402 : vector<16xi32> to vector<16xf32>
          %and3A_404 = arith.constant 8388607 : i32
          %and3A_405 = vector.broadcast %and3A_404 : i32 to vector<16xi32>
          %and3A_406 = arith.andi %bitcast_convert_type3A_399, %and3A_405 : vector<16xi32>
          %or3A_407 = arith.constant 1065353216 : i32
          %or3A_408 = vector.broadcast %or3A_407 : i32 to vector<16xi32>
          %or3A_409 = arith.ori %and3A_406, %or3A_408 : vector<16xi32>
          %bitcast_convert_type3A_410 = tpu.bitcast %or3A_409 : vector<16xi32> -> vector<16xf32>
          %mul3A_411 = arith.constant 0.155514553 : f32
          %mul3A_412 = vector.broadcast %mul3A_411 : f32 to vector<16xf32>
          %mul3A_413 = arith.mulf %mul3A_412, %bitcast_convert_type3A_410 : vector<16xf32>
          %add3A_414 = arith.constant -1.03956878 : f32
          %add3A_415 = vector.broadcast %add3A_414 : f32 to vector<16xf32>
          %add3A_416 = arith.addf %mul3A_413, %add3A_415 : vector<16xf32>
          %mul3A_417 = arith.mulf %add3A_416, %bitcast_convert_type3A_410 : vector<16xf32>
          %add3A_418 = arith.constant 3.02993226 : f32
          %add3A_419 = vector.broadcast %add3A_418 : f32 to vector<16xf32>
          %add3A_420 = arith.addf %mul3A_417, %add3A_419 : vector<16xf32>
          %mul3A_421 = arith.mulf %add3A_420, %bitcast_convert_type3A_410 : vector<16xf32>
          %add3A_422 = arith.constant -129.145157 : f32
          %add3A_423 = vector.broadcast %add3A_422 : f32 to vector<16xf32>
          %add3A_424 = arith.addf %mul3A_421, %add3A_423 : vector<16xf32>
          %add3A_425 = arith.addf %convert_element_type3A_403, %add3A_424 : vector<16xf32>
          %mul3A_426 = arith.mulf %mul3A_398, %add3A_425 : vector<16xf32>
          %add3A_427 = arith.addf %add3A_361, %mul3A_426 : vector<16xf32>
          %scan3A_428 = arith.constant 4 : i32
          %scan3A_429 = arith.addi %scan3A_172, %scan3A_428 : i32
          %mul3A_430 = arith.constant 16 : i32
          %mul3A_431 = arith.muli %scan3A_429, %mul3A_430 : i32
          %get3A_432 = arith.index_cast %scan3A_164 : i32 to index
          %get3A_433 = arith.index_cast %mul3A_431 : i32 to index
          %get3A_434 = tpu.vector_load %arg8[%get3A_432, %get3A_433] {strides = array<i32>} : memref<32x512xf32, #tpu.memory_space<vmem>>, vector<1x16xf32>,
          %get3A_435 = vector.shape_cast %get3A_434 : vector<1x16xf32> to vector<16xf32>
          %get3A_436 = arith.index_cast %scan3A_164 : i32 to index
          %get3A_437 = arith.index_cast %mul3A_431 : i32 to index
          %get3A_438 = tpu.vector_load %arg9[%get3A_436, %get3A_437] {strides = array<i32>} : memref<32x512xf32, #tpu.memory_space<vmem>>, vector<1x16xf32>,
          %get3A_439 = vector.shape_cast %get3A_438 : vector<1x16xf32> to vector<16xf32>
          %get3A_440 = arith.index_cast %scan3A_164 : i32 to index
          %get3A_441 = arith.index_cast %mul3A_431 : i32 to index
          %get3A_442 = tpu.vector_load %arg10[%get3A_440, %get3A_441] {strides = array<i32>} : memref<32x512xi32, #tpu.memory_space<vmem>>, vector<1x16xi32>,
          %get3A_443 = vector.shape_cast %get3A_442 : vector<1x16xi32> to vector<16xi32>
          %sub3A_444 = arith.subf %get3A_439, %get3A_435 : vector<16xf32>
          %bitcast_convert_type3A_445 = tpu.bitcast %sub3A_444 : vector<16xf32> -> vector<16xi32>
          %shift_left3A_446 = arith.constant 31 : i32
          %shift_left3A_447 = vector.broadcast %shift_left3A_446 : i32 to vector<16xi32>
          %shift_left3A_448 = arith.shli %get3A_443, %shift_left3A_447 : vector<16xi32>
          %xor3A_449 = arith.xori %bitcast_convert_type3A_445, %shift_left3A_448 : vector<16xi32>
          %bitcast_convert_type3A_450 = tpu.bitcast %xor3A_449 : vector<16xi32> -> vector<16xf32>
          %exp3A_451 = math.exp %bitcast_convert_type3A_450 : vector<16xf32>
          %add3A_452 = arith.constant 1.000000e+00 : f32
          %add3A_453 = vector.broadcast %add3A_452 : f32 to vector<16xf32>
          %add3A_454 = arith.addf %add3A_453, %exp3A_451 : vector<16xf32>
          %div3A_455 = arith.constant 1.000000e+00 : f32
          %div3A_456 = vector.broadcast %div3A_455 : f32 to vector<16xf32>
          %div3A_457 = arith.divf %div3A_456, %add3A_454 : vector<16xf32>
          %max3A_458 = arith.constant 9.99999993E-9 : f32
          %max3A_459 = vector.broadcast %max3A_458 : f32 to vector<16xf32>
          %max3A_460 = arith.maximumf %div3A_457, %max3A_459 : vector<16xf32>
          %sub3A_461 = arith.constant 1.000000e+00 : f32
          %sub3A_462 = vector.broadcast %sub3A_461 : f32 to vector<16xf32>
          %sub3A_463 = arith.subf %sub3A_462, %max3A_460 : vector<16xf32>
          %mul3A_464 = arith.mulf %sub3A_463, %sub3A_463 : vector<16xf32>
          %bitcast_convert_type3A_465 = tpu.bitcast %max3A_460 : vector<16xf32> -> vector<16xi32>
          %shift_right_arithmetic3A_466 = arith.constant 23 : i32
          %shift_right_arithmetic3A_467 = vector.broadcast %shift_right_arithmetic3A_466 : i32 to vector<16xi32>
          %shift_right_arithmetic3A_468 = arith.shrsi %bitcast_convert_type3A_465, %shift_right_arithmetic3A_467 : vector<16xi32>
          %convert_element_type3A_469 = arith.sitofp %shift_right_arithmetic3A_468 : vector<16xi32> to vector<16xf32>
          %and3A_470 = arith.constant 8388607 : i32
          %and3A_471 = vector.broadcast %and3A_470 : i32 to vector<16xi32>
          %and3A_472 = arith.andi %bitcast_convert_type3A_465, %and3A_471 : vector<16xi32>
          %or3A_473 = arith.constant 1065353216 : i32
          %or3A_474 = vector.broadcast %or3A_473 : i32 to vector<16xi32>
          %or3A_475 = arith.ori %and3A_472, %or3A_474 : vector<16xi32>
          %bitcast_convert_type3A_476 = tpu.bitcast %or3A_475 : vector<16xi32> -> vector<16xf32>
          %mul3A_477 = arith.constant 0.155514553 : f32
          %mul3A_478 = vector.broadcast %mul3A_477 : f32 to vector<16xf32>
          %mul3A_479 = arith.mulf %mul3A_478, %bitcast_convert_type3A_476 : vector<16xf32>
          %add3A_480 = arith.constant -1.03956878 : f32
          %add3A_481 = vector.broadcast %add3A_480 : f32 to vector<16xf32>
          %add3A_482 = arith.addf %mul3A_479, %add3A_481 : vector<16xf32>
          %mul3A_483 = arith.mulf %add3A_482, %bitcast_convert_type3A_476 : vector<16xf32>
          %add3A_484 = arith.constant 3.02993226 : f32
          %add3A_485 = vector.broadcast %add3A_484 : f32 to vector<16xf32>
          %add3A_486 = arith.addf %mul3A_483, %add3A_485 : vector<16xf32>
          %mul3A_487 = arith.mulf %add3A_486, %bitcast_convert_type3A_476 : vector<16xf32>
          %add3A_488 = arith.constant -129.145157 : f32
          %add3A_489 = vector.broadcast %add3A_488 : f32 to vector<16xf32>
          %add3A_490 = arith.addf %mul3A_487, %add3A_489 : vector<16xf32>
          %add3A_491 = arith.addf %convert_element_type3A_469, %add3A_490 : vector<16xf32>
          %mul3A_492 = arith.mulf %mul3A_464, %add3A_491 : vector<16xf32>
          %add3A_493 = arith.addf %add3A_427, %mul3A_492 : vector<16xf32>
          %scan3A_494 = arith.constant 5 : i32
          %scan3A_495 = arith.addi %scan3A_172, %scan3A_494 : i32
          %mul3A_496 = arith.constant 16 : i32
          %mul3A_497 = arith.muli %scan3A_495, %mul3A_496 : i32
          %get3A_498 = arith.index_cast %scan3A_164 : i32 to index
          %get3A_499 = arith.index_cast %mul3A_497 : i32 to index
          %get3A_500 = tpu.vector_load %arg8[%get3A_498, %get3A_499] {strides = array<i32>} : memref<32x512xf32, #tpu.memory_space<vmem>>, vector<1x16xf32>,
          %get3A_501 = vector.shape_cast %get3A_500 : vector<1x16xf32> to vector<16xf32>
          %get3A_502 = arith.index_cast %scan3A_164 : i32 to index
          %get3A_503 = arith.index_cast %mul3A_497 : i32 to index
          %get3A_504 = tpu.vector_load %arg9[%get3A_502, %get3A_503] {strides = array<i32>} : memref<32x512xf32, #tpu.memory_space<vmem>>, vector<1x16xf32>,
          %get3A_505 = vector.shape_cast %get3A_504 : vector<1x16xf32> to vector<16xf32>
          %get3A_506 = arith.index_cast %scan3A_164 : i32 to index
          %get3A_507 = arith.index_cast %mul3A_497 : i32 to index
          %get3A_508 = tpu.vector_load %arg10[%get3A_506, %get3A_507] {strides = array<i32>} : memref<32x512xi32, #tpu.memory_space<vmem>>, vector<1x16xi32>,
          %get3A_509 = vector.shape_cast %get3A_508 : vector<1x16xi32> to vector<16xi32>
          %sub3A_510 = arith.subf %get3A_505, %get3A_501 : vector<16xf32>
          %bitcast_convert_type3A_511 = tpu.bitcast %sub3A_510 : vector<16xf32> -> vector<16xi32>
          %shift_left3A_512 = arith.constant 31 : i32
          %shift_left3A_513 = vector.broadcast %shift_left3A_512 : i32 to vector<16xi32>
          %shift_left3A_514 = arith.shli %get3A_509, %shift_left3A_513 : vector<16xi32>
          %xor3A_515 = arith.xori %bitcast_convert_type3A_511, %shift_left3A_514 : vector<16xi32>
          %bitcast_convert_type3A_516 = tpu.bitcast %xor3A_515 : vector<16xi32> -> vector<16xf32>
          %exp3A_517 = math.exp %bitcast_convert_type3A_516 : vector<16xf32>
          %add3A_518 = arith.constant 1.000000e+00 : f32
          %add3A_519 = vector.broadcast %add3A_518 : f32 to vector<16xf32>
          %add3A_520 = arith.addf %add3A_519, %exp3A_517 : vector<16xf32>
          %div3A_521 = arith.constant 1.000000e+00 : f32
          %div3A_522 = vector.broadcast %div3A_521 : f32 to vector<16xf32>
          %div3A_523 = arith.divf %div3A_522, %add3A_520 : vector<16xf32>
          %max3A_524 = arith.constant 9.99999993E-9 : f32
          %max3A_525 = vector.broadcast %max3A_524 : f32 to vector<16xf32>
          %max3A_526 = arith.maximumf %div3A_523, %max3A_525 : vector<16xf32>
          %sub3A_527 = arith.constant 1.000000e+00 : f32
          %sub3A_528 = vector.broadcast %sub3A_527 : f32 to vector<16xf32>
          %sub3A_529 = arith.subf %sub3A_528, %max3A_526 : vector<16xf32>
          %mul3A_530 = arith.mulf %sub3A_529, %sub3A_529 : vector<16xf32>
          %bitcast_convert_type3A_531 = tpu.bitcast %max3A_526 : vector<16xf32> -> vector<16xi32>
          %shift_right_arithmetic3A_532 = arith.constant 23 : i32
          %shift_right_arithmetic3A_533 = vector.broadcast %shift_right_arithmetic3A_532 : i32 to vector<16xi32>
          %shift_right_arithmetic3A_534 = arith.shrsi %bitcast_convert_type3A_531, %shift_right_arithmetic3A_533 : vector<16xi32>
          %convert_element_type3A_535 = arith.sitofp %shift_right_arithmetic3A_534 : vector<16xi32> to vector<16xf32>
          %and3A_536 = arith.constant 8388607 : i32
          %and3A_537 = vector.broadcast %and3A_536 : i32 to vector<16xi32>
          %and3A_538 = arith.andi %bitcast_convert_type3A_531, %and3A_537 : vector<16xi32>
          %or3A_539 = arith.constant 1065353216 : i32
          %or3A_540 = vector.broadcast %or3A_539 : i32 to vector<16xi32>
          %or3A_541 = arith.ori %and3A_538, %or3A_540 : vector<16xi32>
          %bitcast_convert_type3A_542 = tpu.bitcast %or3A_541 : vector<16xi32> -> vector<16xf32>
          %mul3A_543 = arith.constant 0.155514553 : f32
          %mul3A_544 = vector.broadcast %mul3A_543 : f32 to vector<16xf32>
          %mul3A_545 = arith.mulf %mul3A_544, %bitcast_convert_type3A_542 : vector<16xf32>
          %add3A_546 = arith.constant -1.03956878 : f32
          %add3A_547 = vector.broadcast %add3A_546 : f32 to vector<16xf32>
          %add3A_548 = arith.addf %mul3A_545, %add3A_547 : vector<16xf32>
          %mul3A_549 = arith.mulf %add3A_548, %bitcast_convert_type3A_542 : vector<16xf32>
          %add3A_550 = arith.constant 3.02993226 : f32
          %add3A_551 = vector.broadcast %add3A_550 : f32 to vector<16xf32>
          %add3A_552 = arith.addf %mul3A_549, %add3A_551 : vector<16xf32>
          %mul3A_553 = arith.mulf %add3A_552, %bitcast_convert_type3A_542 : vector<16xf32>
          %add3A_554 = arith.constant -129.145157 : f32
          %add3A_555 = vector.broadcast %add3A_554 : f32 to vector<16xf32>
          %add3A_556 = arith.addf %mul3A_553, %add3A_555 : vector<16xf32>
          %add3A_557 = arith.addf %convert_element_type3A_535, %add3A_556 : vector<16xf32>
          %mul3A_558 = arith.mulf %mul3A_530, %add3A_557 : vector<16xf32>
          %add3A_559 = arith.addf %add3A_493, %mul3A_558 : vector<16xf32>
          %scan3A_560 = arith.constant 6 : i32
          %scan3A_561 = arith.addi %scan3A_172, %scan3A_560 : i32
          %mul3A_562 = arith.constant 16 : i32
          %mul3A_563 = arith.muli %scan3A_561, %mul3A_562 : i32
          %get3A_564 = arith.index_cast %scan3A_164 : i32 to index
          %get3A_565 = arith.index_cast %mul3A_563 : i32 to index
          %get3A_566 = tpu.vector_load %arg8[%get3A_564, %get3A_565] {strides = array<i32>} : memref<32x512xf32, #tpu.memory_space<vmem>>, vector<1x16xf32>,
          %get3A_567 = vector.shape_cast %get3A_566 : vector<1x16xf32> to vector<16xf32>
          %get3A_568 = arith.index_cast %scan3A_164 : i32 to index
          %get3A_569 = arith.index_cast %mul3A_563 : i32 to index
          %get3A_570 = tpu.vector_load %arg9[%get3A_568, %get3A_569] {strides = array<i32>} : memref<32x512xf32, #tpu.memory_space<vmem>>, vector<1x16xf32>,
          %get3A_571 = vector.shape_cast %get3A_570 : vector<1x16xf32> to vector<16xf32>
          %get3A_572 = arith.index_cast %scan3A_164 : i32 to index
          %get3A_573 = arith.index_cast %mul3A_563 : i32 to index
          %get3A_574 = tpu.vector_load %arg10[%get3A_572, %get3A_573] {strides = array<i32>} : memref<32x512xi32, #tpu.memory_space<vmem>>, vector<1x16xi32>,
          %get3A_575 = vector.shape_cast %get3A_574 : vector<1x16xi32> to vector<16xi32>
          %sub3A_576 = arith.subf %get3A_571, %get3A_567 : vector<16xf32>
          %bitcast_convert_type3A_577 = tpu.bitcast %sub3A_576 : vector<16xf32> -> vector<16xi32>
          %shift_left3A_578 = arith.constant 31 : i32
          %shift_left3A_579 = vector.broadcast %shift_left3A_578 : i32 to vector<16xi32>
          %shift_left3A_580 = arith.shli %get3A_575, %shift_left3A_579 : vector<16xi32>
          %xor3A_581 = arith.xori %bitcast_convert_type3A_577, %shift_left3A_580 : vector<16xi32>
          %bitcast_convert_type3A_582 = tpu.bitcast %xor3A_581 : vector<16xi32> -> vector<16xf32>
          %exp3A_583 = math.exp %bitcast_convert_type3A_582 : vector<16xf32>
          %add3A_584 = arith.constant 1.000000e+00 : f32
          %add3A_585 = vector.broadcast %add3A_584 : f32 to vector<16xf32>
          %add3A_586 = arith.addf %add3A_585, %exp3A_583 : vector<16xf32>
          %div3A_587 = arith.constant 1.000000e+00 : f32
          %div3A_588 = vector.broadcast %div3A_587 : f32 to vector<16xf32>
          %div3A_589 = arith.divf %div3A_588, %add3A_586 : vector<16xf32>
          %max3A_590 = arith.constant 9.99999993E-9 : f32
          %max3A_591 = vector.broadcast %max3A_590 : f32 to vector<16xf32>
          %max3A_592 = arith.maximumf %div3A_589, %max3A_591 : vector<16xf32>
          %sub3A_593 = arith.constant 1.000000e+00 : f32
          %sub3A_594 = vector.broadcast %sub3A_593 : f32 to vector<16xf32>
          %sub3A_595 = arith.subf %sub3A_594, %max3A_592 : vector<16xf32>
          %mul3A_596 = arith.mulf %sub3A_595, %sub3A_595 : vector<16xf32>
          %bitcast_convert_type3A_597 = tpu.bitcast %max3A_592 : vector<16xf32> -> vector<16xi32>
          %shift_right_arithmetic3A_598 = arith.constant 23 : i32
          %shift_right_arithmetic3A_599 = vector.broadcast %shift_right_arithmetic3A_598 : i32 to vector<16xi32>
          %shift_right_arithmetic3A_600 = arith.shrsi %bitcast_convert_type3A_597, %shift_right_arithmetic3A_599 : vector<16xi32>
          %convert_element_type3A_601 = arith.sitofp %shift_right_arithmetic3A_600 : vector<16xi32> to vector<16xf32>
          %and3A_602 = arith.constant 8388607 : i32
          %and3A_603 = vector.broadcast %and3A_602 : i32 to vector<16xi32>
          %and3A_604 = arith.andi %bitcast_convert_type3A_597, %and3A_603 : vector<16xi32>
          %or3A_605 = arith.constant 1065353216 : i32
          %or3A_606 = vector.broadcast %or3A_605 : i32 to vector<16xi32>
          %or3A_607 = arith.ori %and3A_604, %or3A_606 : vector<16xi32>
          %bitcast_convert_type3A_608 = tpu.bitcast %or3A_607 : vector<16xi32> -> vector<16xf32>
          %mul3A_609 = arith.constant 0.155514553 : f32
          %mul3A_610 = vector.broadcast %mul3A_609 : f32 to vector<16xf32>
          %mul3A_611 = arith.mulf %mul3A_610, %bitcast_convert_type3A_608 : vector<16xf32>
          %add3A_612 = arith.constant -1.03956878 : f32
          %add3A_613 = vector.broadcast %add3A_612 : f32 to vector<16xf32>
          %add3A_614 = arith.addf %mul3A_611, %add3A_613 : vector<16xf32>
          %mul3A_615 = arith.mulf %add3A_614, %bitcast_convert_type3A_608 : vector<16xf32>
          %add3A_616 = arith.constant 3.02993226 : f32
          %add3A_617 = vector.broadcast %add3A_616 : f32 to vector<16xf32>
          %add3A_618 = arith.addf %mul3A_615, %add3A_617 : vector<16xf32>
          %mul3A_619 = arith.mulf %add3A_618, %bitcast_convert_type3A_608 : vector<16xf32>
          %add3A_620 = arith.constant -129.145157 : f32
          %add3A_621 = vector.broadcast %add3A_620 : f32 to vector<16xf32>
          %add3A_622 = arith.addf %mul3A_619, %add3A_621 : vector<16xf32>
          %add3A_623 = arith.addf %convert_element_type3A_601, %add3A_622 : vector<16xf32>
          %mul3A_624 = arith.mulf %mul3A_596, %add3A_623 : vector<16xf32>
          %add3A_625 = arith.addf %add3A_559, %mul3A_624 : vector<16xf32>
          %scan3A_626 = arith.constant 7 : i32
          %scan3A_627 = arith.addi %scan3A_172, %scan3A_626 : i32
          %mul3A_628 = arith.constant 16 : i32
          %mul3A_629 = arith.muli %scan3A_627, %mul3A_628 : i32
          %get3A_630 = arith.index_cast %scan3A_164 : i32 to index
          %get3A_631 = arith.index_cast %mul3A_629 : i32 to index
          %get3A_632 = tpu.vector_load %arg8[%get3A_630, %get3A_631] {strides = array<i32>} : memref<32x512xf32, #tpu.memory_space<vmem>>, vector<1x16xf32>,
          %get3A_633 = vector.shape_cast %get3A_632 : vector<1x16xf32> to vector<16xf32>
          %get3A_634 = arith.index_cast %scan3A_164 : i32 to index
          %get3A_635 = arith.index_cast %mul3A_629 : i32 to index
          %get3A_636 = tpu.vector_load %arg9[%get3A_634, %get3A_635] {strides = array<i32>} : memref<32x512xf32, #tpu.memory_space<vmem>>, vector<1x16xf32>,
          %get3A_637 = vector.shape_cast %get3A_636 : vector<1x16xf32> to vector<16xf32>
          %get3A_638 = arith.index_cast %scan3A_164 : i32 to index
          %get3A_639 = arith.index_cast %mul3A_629 : i32 to index
          %get3A_640 = tpu.vector_load %arg10[%get3A_638, %get3A_639] {strides = array<i32>} : memref<32x512xi32, #tpu.memory_space<vmem>>, vector<1x16xi32>,
          %get3A_641 = vector.shape_cast %get3A_640 : vector<1x16xi32> to vector<16xi32>
          %sub3A_642 = arith.subf %get3A_637, %get3A_633 : vector<16xf32>
          %bitcast_convert_type3A_643 = tpu.bitcast %sub3A_642 : vector<16xf32> -> vector<16xi32>
          %shift_left3A_644 = arith.constant 31 : i32
          %shift_left3A_645 = vector.broadcast %shift_left3A_644 : i32 to vector<16xi32>
          %shift_left3A_646 = arith.shli %get3A_641, %shift_left3A_645 : vector<16xi32>
          %xor3A_647 = arith.xori %bitcast_convert_type3A_643, %shift_left3A_646 : vector<16xi32>
          %bitcast_convert_type3A_648 = tpu.bitcast %xor3A_647 : vector<16xi32> -> vector<16xf32>
          %exp3A_649 = math.exp %bitcast_convert_type3A_648 : vector<16xf32>
          %add3A_650 = arith.constant 1.000000e+00 : f32
          %add3A_651 = vector.broadcast %add3A_650 : f32 to vector<16xf32>
          %add3A_652 = arith.addf %add3A_651, %exp3A_649 : vector<16xf32>
          %div3A_653 = arith.constant 1.000000e+00 : f32
          %div3A_654 = vector.broadcast %div3A_653 : f32 to vector<16xf32>
          %div3A_655 = arith.divf %div3A_654, %add3A_652 : vector<16xf32>
          %max3A_656 = arith.constant 9.99999993E-9 : f32
          %max3A_657 = vector.broadcast %max3A_656 : f32 to vector<16xf32>
          %max3A_658 = arith.maximumf %div3A_655, %max3A_657 : vector<16xf32>
          %sub3A_659 = arith.constant 1.000000e+00 : f32
          %sub3A_660 = vector.broadcast %sub3A_659 : f32 to vector<16xf32>
          %sub3A_661 = arith.subf %sub3A_660, %max3A_658 : vector<16xf32>
          %mul3A_662 = arith.mulf %sub3A_661, %sub3A_661 : vector<16xf32>
          %bitcast_convert_type3A_663 = tpu.bitcast %max3A_658 : vector<16xf32> -> vector<16xi32>
          %shift_right_arithmetic3A_664 = arith.constant 23 : i32
          %shift_right_arithmetic3A_665 = vector.broadcast %shift_right_arithmetic3A_664 : i32 to vector<16xi32>
          %shift_right_arithmetic3A_666 = arith.shrsi %bitcast_convert_type3A_663, %shift_right_arithmetic3A_665 : vector<16xi32>
          %convert_element_type3A_667 = arith.sitofp %shift_right_arithmetic3A_666 : vector<16xi32> to vector<16xf32>
          %and3A_668 = arith.constant 8388607 : i32
          %and3A_669 = vector.broadcast %and3A_668 : i32 to vector<16xi32>
          %and3A_670 = arith.andi %bitcast_convert_type3A_663, %and3A_669 : vector<16xi32>
          %or3A_671 = arith.constant 1065353216 : i32
          %or3A_672 = vector.broadcast %or3A_671 : i32 to vector<16xi32>
          %or3A_673 = arith.ori %and3A_670, %or3A_672 : vector<16xi32>
          %bitcast_convert_type3A_674 = tpu.bitcast %or3A_673 : vector<16xi32> -> vector<16xf32>
          %mul3A_675 = arith.constant 0.155514553 : f32
          %mul3A_676 = vector.broadcast %mul3A_675 : f32 to vector<16xf32>
          %mul3A_677 = arith.mulf %mul3A_676, %bitcast_convert_type3A_674 : vector<16xf32>
          %add3A_678 = arith.constant -1.03956878 : f32
          %add3A_679 = vector.broadcast %add3A_678 : f32 to vector<16xf32>
          %add3A_680 = arith.addf %mul3A_677, %add3A_679 : vector<16xf32>
          %mul3A_681 = arith.mulf %add3A_680, %bitcast_convert_type3A_674 : vector<16xf32>
          %add3A_682 = arith.constant 3.02993226 : f32
          %add3A_683 = vector.broadcast %add3A_682 : f32 to vector<16xf32>
          %add3A_684 = arith.addf %mul3A_681, %add3A_683 : vector<16xf32>
          %mul3A_685 = arith.mulf %add3A_684, %bitcast_convert_type3A_674 : vector<16xf32>
          %add3A_686 = arith.constant -129.145157 : f32
          %add3A_687 = vector.broadcast %add3A_686 : f32 to vector<16xf32>
          %add3A_688 = arith.addf %mul3A_685, %add3A_687 : vector<16xf32>
          %add3A_689 = arith.addf %convert_element_type3A_667, %add3A_688 : vector<16xf32>
          %mul3A_690 = arith.mulf %mul3A_662, %add3A_689 : vector<16xf32>
          %add3A_691 = arith.addf %add3A_625, %mul3A_690 : vector<16xf32>
          scf.yield %add3A_691 : vector<16xf32>
        }
        %scan3A_171 = arith.constant 32 : i32
        scf.yield %scan3A_170 : vector<16xf32>
      }
      %scan3A_163 = arith.constant 32 : i32
      scf.yield %scan3A_162 : vector<16xf32>
    }
    %scan3A_59 = arith.constant 2 : i32
    %swap3A = arith.constant 0 : index
    %swap3A_60 = tpu.vector_load %arg11[%swap3A] {strides = array<i32>} : memref<16xf32, #tpu.memory_space<vmem>>, vector<16xf32>,
    %swap3A_61 = vector.shape_cast %swap3A_60 : vector<16xf32> to vector<16xf32>
    %swap3A_62 = vector.shape_cast %scan3A_58 : vector<16xf32> to vector<16xf32>
    tpu.vector_store %arg11[%swap3A], %swap3A_62 {strides = array<i32>} : memref<16xf32, #tpu.memory_space<vmem>>, vector<16xf32>,
    "tpu.region"() ({
      %run_scoped3A = tpu.sem_alloc : memref<!tpu.dma_semaphore, #tpu.memory_space<semaphore_mem>>
      %dma_start3A_63 = arith.constant 0 : i32
      %dma_start3A_64 = tpu.memref_slice %arg4[%add3A, %dma_start3A_63] : memref<32x16xf32, #tpu.memory_space<hbm>> -> memref<1x16xf32, #tpu.memory_space<hbm>>
      %dma_start3A_65 = tpu.memref_squeeze %dma_start3A_64 : memref<1x16xf32, #tpu.memory_space<hbm>> -> memref<16xf32, #tpu.memory_space<hbm>>
      %dma_start3A_66 = arith.constant 0 : i32
      %dma_start3A_67 = tpu.memref_slice %arg4[%add3A, %dma_start3A_66] : memref<32x16xf32, #tpu.memory_space<hbm>> -> memref<1x16xf32, #tpu.memory_space<hbm>>
      %dma_start3A_68 = tpu.memref_squeeze %dma_start3A_67 : memref<1x16xf32, #tpu.memory_space<hbm>> -> memref<16xf32, #tpu.memory_space<hbm>>
      tpu.enqueue_dma source(%arg11 : memref<16xf32, #tpu.memory_space<vmem>>) target(%dma_start3A_68 : memref<16xf32, #tpu.memory_space<hbm>>) target_semaphore(%run_scoped3A : memref<!tpu.dma_semaphore, #tpu.memory_space<semaphore_mem>>)
      %dma_wait3A = arith.constant 0 : i32
      %dma_wait3A_69 = tpu.memref_slice %arg4[%add3A, %dma_wait3A] : memref<32x16xf32, #tpu.memory_space<hbm>> -> memref<1x16xf32, #tpu.memory_space<hbm>>
      %dma_wait3A_70 = tpu.memref_squeeze %dma_wait3A_69 : memref<1x16xf32, #tpu.memory_space<hbm>> -> memref<16xf32, #tpu.memory_space<hbm>>
      %dma_wait3A_71 = arith.constant 0 : i32
      %dma_wait3A_72 = tpu.memref_slice %arg4[%add3A, %dma_wait3A_71] : memref<32x16xf32, #tpu.memory_space<hbm>> -> memref<1x16xf32, #tpu.memory_space<hbm>>
      %dma_wait3A_73 = tpu.memref_squeeze %dma_wait3A_72 : memref<1x16xf32, #tpu.memory_space<hbm>> -> memref<16xf32, #tpu.memory_space<hbm>>
      tpu.wait_dma2 semaphore(%run_scoped3A : memref<!tpu.dma_semaphore, #tpu.memory_space<semaphore_mem>>) src(%arg11 : memref<16xf32, #tpu.memory_space<vmem>>) dst(%dma_wait3A_73 : memref<16xf32, #tpu.memory_space<hbm>>)
      tpu.yield
    }) : () -> ()
    return
  }
}

module attributes {stable_mosaic.version = 14 : i64} {
  func.func @_tc_body(%arg0: i32, %arg1: i32, %arg2: memref<1x2x128x512xf32, #tpu.memory_space<vmem>>, %arg3: memref<1x128x512xi32, #tpu.memory_space<vmem>>, %arg4: memref<8x128xf32, #tpu.memory_space<vmem>>) attributes {dimension_semantics = [#tpu.dimension_semantics<arbitrary>, #tpu.dimension_semantics<arbitrary>], iteration_bounds = array<i64: 8, 4>, scalar_prefetch = 0 : i64, scratch_operands = 0 : i64, tpu.core_type = #tpu.core_type<tc>, window_params = [{transform_indices = @transform_0, window_bounds = array<i64: 1, 2, 128, 512>}, {transform_indices = @transform_1, window_bounds = array<i64: 1, 128, 512>}, {pipeline_mode = #tpu.pipeline_mode<synchronous>, transform_indices = @transform_2, window_bounds = array<i64: 8, 128>}]} {
    %eq3A = arith.constant 0 : i32
    %eq3A_0 = arith.cmpi eq, %arg0, %eq3A : i32
    %eq3A_1 = arith.constant 0 : i32
    %eq3A_2 = arith.cmpi eq, %arg1, %eq3A_1 : i32
    %and3A = arith.andi %eq3A_0, %eq3A_2 : i1
    %convert_element_type3A = arith.extui %and3A : i1 to i32
    %cond3A = arith.constant 0 : i32
    %cond3A_3 = arith.cmpi ne, %convert_element_type3A, %cond3A : i32
    scf.if %cond3A_3 {
      %broadcast_in_dim3A_45 = arith.constant 0.000000e+00 : f32
      %broadcast_in_dim3A_46 = vector.broadcast %broadcast_in_dim3A_45 : f32 to vector<8x128xf32>
      %swap3A_47 = arith.constant 0 : index
      %swap3A_48 = arith.constant 0 : index
      %swap3A_49 = vector.load %arg4[%swap3A_47, %swap3A_48] : memref<8x128xf32, #tpu.memory_space<vmem>>, vector<8x128xf32>
      tpu.vector_store %arg4[%swap3A_47, %swap3A_48], %broadcast_in_dim3A_46 {strides = array<i32>} : memref<8x128xf32, #tpu.memory_space<vmem>>, vector<8x128xf32>,
    } else {
    }
    %get3A = arith.constant 0 : index
    %get3A_4 = arith.constant 0 : index
    %get3A_5 = arith.constant 0 : index
    %get3A_6 = arith.constant 0 : index
    %get3A_7 = vector.load %arg2[%get3A, %get3A_4, %get3A_5, %get3A_6] : memref<1x2x128x512xf32, #tpu.memory_space<vmem>>, vector<1x1x128x512xf32>
    %get3A_8 = vector.shape_cast %get3A_7 : vector<1x1x128x512xf32> to vector<128x512xf32>
    %get3A_9 = arith.constant 0 : index
    %get3A_10 = arith.constant 1 : index
    %get3A_11 = arith.constant 0 : index
    %get3A_12 = arith.constant 0 : index
    %get3A_13 = vector.load %arg2[%get3A_9, %get3A_10, %get3A_11, %get3A_12] : memref<1x2x128x512xf32, #tpu.memory_space<vmem>>, vector<1x1x128x512xf32>
    %get3A_14 = vector.shape_cast %get3A_13 : vector<1x1x128x512xf32> to vector<128x512xf32>
    %get3A_15 = arith.constant 0 : index
    %get3A_16 = arith.constant 0 : index
    %get3A_17 = arith.constant 0 : index
    %get3A_18 = vector.load %arg3[%get3A_15, %get3A_16, %get3A_17] : memref<1x128x512xi32, #tpu.memory_space<vmem>>, vector<1x128x512xi32>
    %get3A_19 = vector.shape_cast %get3A_18 : vector<1x128x512xi32> to vector<128x512xi32>
    %sub3A = arith.subf %get3A_14, %get3A_8 : vector<128x512xf32>
    %gt3A = arith.constant 0 : i32
    %gt3A_20 = vector.broadcast %gt3A : i32 to vector<128x512xi32>
    %gt3A_21 = arith.cmpi sgt, %get3A_19, %gt3A_20 : vector<128x512xi32>
    %neg3A = arith.constant 0.000000e+00 : f32
    %neg3A_22 = vector.broadcast %neg3A : f32 to vector<128x512xf32>
    %neg3A_23 = arith.subf %neg3A_22, %sub3A : vector<128x512xf32>
    %select_n3A = arith.select %gt3A_21, %neg3A_23, %sub3A : vector<128x512xi1>, vector<128x512xf32>
    %exp3A = math.exp %select_n3A : vector<128x512xf32>
    %add3A = arith.constant 1.000000e+00 : f32
    %add3A_24 = vector.broadcast %add3A : f32 to vector<128x512xf32>
    %add3A_25 = arith.addf %add3A_24, %exp3A : vector<128x512xf32>
    %div3A = arith.constant 1.000000e+00 : f32
    %div3A_26 = vector.broadcast %div3A : f32 to vector<128x512xf32>
    %div3A_27 = arith.divf %div3A_26, %add3A_25 : vector<128x512xf32>
    %jit3A = arith.constant 9.99999993E-9 : f32
    %jit3A_28 = arith.constant 1.000000e+00 : f32
    %max3A = vector.broadcast %jit3A : f32 to vector<128x512xf32>
    %max3A_29 = arith.maximumf %max3A, %div3A_27 : vector<128x512xf32>
    %min3A = vector.broadcast %jit3A_28 : f32 to vector<128x512xf32>
    %min3A_30 = arith.minimumf %min3A, %max3A_29 : vector<128x512xf32>
    %sub3A_31 = arith.constant 1.000000e+00 : f32
    %sub3A_32 = vector.broadcast %sub3A_31 : f32 to vector<128x512xf32>
    %sub3A_33 = arith.subf %sub3A_32, %min3A_30 : vector<128x512xf32>
    %mul3A = arith.mulf %sub3A_33, %sub3A_33 : vector<128x512xf32>
    %log3A = math.log %min3A_30 : vector<128x512xf32>
    %mul3A_34 = arith.mulf %mul3A, %log3A : vector<128x512xf32>
    %reduce_sum3A = vector.shape_cast %mul3A_34 : vector<128x512xf32> to vector<1x128x512xf32>
    %reduce_sum3A_35 = arith.constant dense<0.000000e+00> : vector<1xf32>
    %reduce_sum3A_36 = vector.multi_reduction <add>, %reduce_sum3A, %reduce_sum3A_35 [1, 2] : vector<1x128x512xf32> to vector<1xf32>
    %reduce_sum3A_37 = vector.shape_cast %reduce_sum3A_36 : vector<1xf32> to vector<1x1x1xf32>
    %reduce_sum3A_38 = vector.extract %reduce_sum3A_37[0, 0, 0] : f32 from vector<1x1x1xf32>
    %get3A_39 = arith.constant 0 : index
    %get3A_40 = arith.constant 0 : index
    %get3A_41 = vector.load %arg4[%get3A_39, %get3A_40] : memref<8x128xf32, #tpu.memory_space<vmem>>, vector<8x128xf32>
    %broadcast_in_dim3A = vector.broadcast %reduce_sum3A_38 : f32 to vector<8x128xf32>
    %add3A_42 = arith.addf %get3A_41, %broadcast_in_dim3A : vector<8x128xf32>
    %swap3A = arith.constant 0 : index
    %swap3A_43 = arith.constant 0 : index
    %swap3A_44 = vector.load %arg4[%swap3A, %swap3A_43] : memref<8x128xf32, #tpu.memory_space<vmem>>, vector<8x128xf32>
    tpu.vector_store %arg4[%swap3A, %swap3A_43], %add3A_42 {strides = array<i32>} : memref<8x128xf32, #tpu.memory_space<vmem>>, vector<8x128xf32>,
    return
  }
  func.func @transform_0(%arg0: i32, %arg1: i32) -> (i32, i32, i32, i32) {
    %add3A = arith.constant 8 : i32
    %add3A_0 = arith.addi %add3A, %arg0 : i32
    %c0_i32 = arith.constant 0 : i32
    %c0_i32_1 = arith.constant 0 : i32
    %c0_i32_2 = arith.constant 0 : i32
    return %add3A_0, %c0_i32, %arg1, %c0_i32_1 : i32, i32, i32, i32
  }
  func.func @transform_1(%arg0: i32, %arg1: i32) -> (i32, i32, i32) {
    %add3A = arith.constant 8 : i32
    %add3A_0 = arith.addi %add3A, %arg0 : i32
    %c0_i32 = arith.constant 0 : i32
    %c0_i32_1 = arith.constant 0 : i32
    return %add3A_0, %arg1, %c0_i32 : i32, i32, i32
  }
  func.func @transform_2(%arg0: i32, %arg1: i32) -> (i32, i32) {
    %c0_i32 = arith.constant 0 : i32
    %c0_i32_0 = arith.constant 0 : i32
    %c0_i32_1 = arith.constant 0 : i32
    return %c0_i32, %c0_i32_0 : i32, i32
  }
}

</mosaic_0001>

<sc_bundles>
// kernel: kernel.4.cloned.1.call-start
scs
__scs_entry_jumppad:
0x0: {  	(pc) =	sbr.rel $0x88, $3  }
0x1: {  	(tag) =	ssettag $0x0;
	lr =	simm.s32 $0x1  }
0x2: {  	[smem:$0x3F9F] =	sst lr;
	_ =	strace $0xD0000000  }
0x3: {  	_ = 	snop  }
0x4: {  	_ = 	snop  }
0x5: {  	_ = 	snop  }
0x6: {  	_ = 	snop  }
0x7: {  	_ = 	snop  }
__scs_overlays_trampoline_lowered:
0x8: {  	[smem:$0x3FAE] =	sst s0  }
0x9: {  	[smem:$0x3FAF] =	sst s1  }
0xa: {  	[smem:$0x3FB0] =	sst s2  }
0xb: {  	[smem:$0x3FB1] =	sst s3  }
0xc: {  	[smem:$0x3FB2] =	sst s4  }
0xd: {  	[smem:$0x3FB3] =	sst s5  }
0xe: {  	[smem:$0x3FB4] =	sst s6  }
0xf: {  	[smem:$0x3FB5] =	sst s7  }
0x10: {  	[smem:$0x3FB6] =	sst s8  }
0x11: {  	[smem:$0x3FB7] =	sst s9;
	s0 =	simm.s32 @!p0 $0x0  }
0x12: {  	s1 =	sld [smem:$0x3F9D];
	s0 =	simm.s32 @p0 $0x1  }
0x13: {  	[smem:$0x3FB8] =	sst s0;
	s0 =	simm.s32 @!p1 $0x0  }
0x14: {  	s2 =	sld [smem:$0x3F9C];
	s0 =	simm.s32 @p1 $0x1  }
0x15: {  	[smem:$0x3FB9] =	sst s0;
	s0 =	simm.s32 @!p2 $0x0  }
0x16: {  	s3 =	sld [smem:$0x3FDB];
	s0 =	simm.s32 @p2 $0x1  }
0x17: {  	s4 =	simm.s32 $0x1BF5;
	[smem:$0x3FBB] =	sst s0  }
0x18: {  	s0 =	sld [smem:$0x3F9E];
	_ =	swait.ge [sflag:s4], $0x0  }
0x19: {  	s7 =	sld [smem:$0x3F9F]  }
0x1a: {  	s8 =	sadd.s32 $0xFFFFE003, lr  }
0x1b: {  	s9 =	sadd.s32 $0xFFFFFEF7, lr;
	s5 =	simm.s32 $0xFFFFFFFF;
	p2 =	slt.u32 s8, $0xFFFFF086  }
0x1c: {  	p1 =	slt.u32 s9, $0xF7A;
	s5 =	simm.s32 @!p2 $0x0  }
0x1d: {  	s5 =	simm.s32 @p1 $0x1;
	p0 =	seq.s32 s7, s2  }
0x1e: {  	s7 =	smul.u32 @!p0 $0xF7A, s2;
	p2 =	seq.s32 @!p0 s5, $0x0  }
0x1f: {  	s9 =	smul.u32 $0xF7A, s1;
	s8 =	simm.s32 @!p0 $0x1BF5;
	p2 =	por !p2, p0  }
0x20: {  	[sflag:s8] =	ssyncset.s32 @!p0 $0xFFFFF086;
	s6 =	sadd.s32 @!p0 s3, s7;
	s7 =	simm.s32 @!p0 $0x108  }
0x21: {  	s3 =	sadd.s32 s3, s9;
	s6 =	sadd.s32 @!p0 $0x88, s6;
	s7 =	simm.s32 @p2 $0x1082  }
0x22: {  	[simem:s7], [sflag:s8] =	dma.local @!p0 [hbm:s6], $0xF7A  }
0x23: {  	s9 =	sor.u32 $0xD0000000, s2;
	s6 =	simm.s32 $0x108;
	_ =	swait.ge @!p0 [sflag:s8], $0x0  }
0x24: {  	s3 =	sadd.s32 $0x88, s3;
	s6 =	simm.s32 @!p1 $0x1082;
	[sflag:s4] =	ssyncset.s32 $0xFFFFF086  }
0x25: {  	[simem:s6], [sflag:s4] =	dma.local [hbm:s3], $0xF7A  }
0x26: {  	[smem:$0x3F9F] =	sst s1;
	(tag) =	ssettag s2;
	_ =	strace s9  }
0x27: {  	s1 =	sld [smem:$0x3FAF]  }
0x28: {  	s2 =	sld [smem:$0x3FB0]  }
0x29: {  	s4 =	sld [smem:$0x3FB2]  }
0x2a: {  	p0 =	seq.s32 s5, $0x0;
	s5 =	sld [smem:$0x3FB3]  }
0x2b: {  	s6 =	sld [smem:$0x3FB4]  }
0x2c: {  	s7 =	sld [smem:$0x3FB5]  }
0x2d: {  	s3 =	simm.s32 $0x108;
	s8 =	sld [smem:$0x3FB6]  }
0x2e: {  	s3 =	simm.s32 @!p0 $0x1082;
	s9 =	sld [smem:$0x3FB7]  }
0x2f: {  	lr =	sadd.s32 s0, s3;
	s0 =	sld [smem:$0x3FAE]  }
0x30: {  	s3 =	sld [smem:$0x3FB1]  }
0x31: {  	[smem:$0x3FBA] =	sst s10  }
0x32: {  	s10 =	sld [smem:$0x3FB8];
	_ =	sdelay $0x3  }
0x33: {  	p0 =	seq.s32 s10, $0x1;
	s10 =	sld [smem:$0x3FBA];
	_ =	sdelay $0x3  }
0x34: {  	[smem:$0x3FBA] =	sst s10  }
0x35: {  	s10 =	sld [smem:$0x3FB9];
	_ =	sdelay $0x3  }
0x36: {  	p1 =	seq.s32 s10, $0x1;
	s10 =	sld [smem:$0x3FBA];
	_ =	sdelay $0x3  }
0x37: {  	[smem:$0x3FBA] =	sst s10  }
0x38: {  	s10 =	sld [smem:$0x3FBB]  }
0x39: {  	_ = 	snop;
	(pc) =	sbr.ind lr, $3  }
0x3a: {  	_ = 	snop  }
0x3b: {  	_ = 	snop  }
0x3c: {  	p2 =	seq.s32 s10, $0x1;
	s10 =	sld [smem:$0x3FBA]  }
0x3d: {  	_ =	shalt  }
0x3e: {  	_ =	shalt  }
0x3f: {  	_ =	shalt  }
0x40: {  	_ =	shalt  }
0x41: {  	_ =	shalt  }
0x42: {  	_ =	shalt  }
0x43: {  	_ =	shalt  }
0x44: {  	_ =	shalt  }
0x45: {  	_ =	shalt  }
0x46: {  	_ =	shalt  }
0x47: {  	_ =	shalt  }
0x48: {  	_ =	shalt  }
0x49: {  	_ =	shalt  }
0x4a: {  	_ =	shalt  }
0x4b: {  	_ =	shalt  }
0x4c: {  	_ =	shalt  }
0x4d: {  	_ =	shalt  }
0x4e: {  	_ =	shalt  }
0x4f: {  	_ =	shalt  }
0x50: {  	_ =	shalt  }
0x51: {  	_ =	shalt  }
0x52: {  	_ =	shalt  }
0x53: {  	_ =	shalt  }
0x54: {  	_ =	shalt  }
0x55: {  	_ =	shalt  }
0x56: {  	_ =	shalt  }
0x57: {  	_ =	shalt  }
0x58: {  	_ =	shalt  }
0x59: {  	_ =	shalt  }
0x5a: {  	_ =	shalt  }
0x5b: {  	_ =	shalt  }
0x5c: {  	_ =	shalt  }
0x5d: {  	_ =	shalt  }
0x5e: {  	_ =	shalt  }
0x5f: {  	_ =	shalt  }
0x60: {  	_ =	shalt  }
0x61: {  	_ =	shalt  }
0x62: {  	_ =	shalt  }
0x63: {  	_ =	shalt  }
0x64: {  	_ =	shalt  }
0x65: {  	_ =	shalt  }
0x66: {  	_ =	shalt  }
0x67: {  	_ =	shalt  }
0x68: {  	_ =	shalt  }
0x69: {  	_ =	shalt  }
0x6a: {  	_ =	shalt  }
0x6b: {  	_ =	shalt  }
0x6c: {  	_ =	shalt  }
0x6d: {  	_ =	shalt  }
0x6e: {  	_ =	shalt  }
0x6f: {  	_ =	shalt  }
0x70: {  	_ =	shalt  }
0x71: {  	_ =	shalt  }
0x72: {  	_ =	shalt  }
0x73: {  	_ =	shalt  }
0x74: {  	_ =	shalt  }
0x75: {  	_ =	shalt  }
0x76: {  	_ =	shalt  }
0x77: {  	_ =	shalt  }
0x78: {  	_ =	shalt  }
0x79: {  	_ =	shalt  }
0x7a: {  	_ =	shalt  }
0x7b: {  	_ =	shalt  }
0x7c: {  	_ =	shalt  }
0x7d: {  	_ =	shalt  }
0x7e: {  	_ =	shalt  }
0x7f: {  	_ =	shalt  }
0x80: {  	_ =	shalt  }
0x81: {  	_ =	shalt  }
0x82: {  	_ =	shalt  }
0x83: {  	_ =	shalt  }
0x84: {  	_ =	shalt  }
0x85: {  	_ =	shalt  }
0x86: {  	_ =	shalt  }
0x87: {  	_ =	shalt  }
.Lfunc_end0:
.L_simem_size_0:
called_computation_lowered:
.L_overlay_start_0:
0x88: {  	s2 =	sld [smem:$0x3FD9]  }
0x89: {  	s3 =	sld [smem:$0x3FFE];
	_ =	sdelay $0x1  }
0x8a: {  	s1 =	srdreg.scid  }
0x8b: {  	s0 =	sand.u32 $0x1, s1  }
0x8c: {  	s17 =	sshll.u32 s0, $0xA;
	s2 =	sadd.s32 s3, s2  }
0x8d: {  	s2 =	sadd.s32 s2, s17  }
0x8e: {  	[smem:$0x3FC6] =	sst s2  }
0x8f: {  	_ = 	snop  }
0x90: {  	s2 =	sld [smem:$0x3FC9]  }
0x91: {  	s18 =	sld [smem:$0x3FC8];
	(tm) =	ssettm $0x1  }
0x92: {  	s4 =	sld [smem:$0x3FFB];
	_ =	sdelay $0x3  }
0x93: {  	_ =	strace s4  }
0x94: {  	s4 =	sld [smem:$0x3FFC];
	_ =	sdelay $0x3  }
0x95: {  	_ =	strace s4  }
0x96: {  	s4 =	sld [smem:$0x3FFD];
	_ =	sdelay $0x3  }
0x97: {  	_ =	strace s4  }
0x98: {  	_ =	strace $0x8FFFFFFF  }
0x99: {  	s19 =	sld [smem:$0x3FDB];
	_ =	sdelay $0x1  }
0x9a: {  	s5 =	simm.s32 $_scs_section_size  }
0x9b: {  	s6 =	simm.s32 $_size__tile_overlayer_lowered;
	s7 =	simm.s32 $_tile_overlayer_lowered  }
0x9c: {  	s22 =	simm.s32 $0x1BFF;
	s21 =	sshll.u32 s7, $0x1;
	s4 =	sadd.s32 s5, s19  }
0x9d: {  	s8 =	simm.s32 $0x0;
	s20 =	sshll.u32 s6, $0x1;
	s6 =	sadd.s32 s21, s4  }
0x9e: {  	[timem:s8], [sflag:s22] =	dma.local [hbm:s6], s20  }
0x9f: {  	_ =	swait.ge [sflag:s22], s20  }
0xa0: {  	s5 =	ssub.s32 $0x0, s20;
	[sflag:s22] =	ssyncset.done $0x0  }
0xa1: {  	[sflag:s22] =	ssyncadd.s32 s5;
	_ =	sdelay $0x1  }
0xa2: {  	s23 =	simm.s32 $0x1B8B  }
0xa3: {  	_ =	swait.ge [sflag:s23], $0x1  }
0xa4: {  	[sflag:s23] =	ssyncset.done $0x0  }
0xa5: {  	s25 =	simm.s32 $0x1B8E;
	s24 =	sld [smem:$0x3FFE];
	[sflag:s23] =	ssyncadd.s32 $0xFFFFFFFF  }
0xa6: {  	s26 =	simm.s32 $execute0_lowered;
	[smem:$0x3FD2] =	sst s25  }
0xa7: {  	s6 =	sshll.u32 s26, $0x1;
	_ =	strace $0x80000046;
	[dreg:$0x1] =	wrdreg $0xFFFFFFFF  }
0xa8: {  	s28 =	simm.s32 $_size_execute0_lowered;
	s4 =	sadd.s32 s4, s6;
	[dreg:$0x0] =	wrdreg $0x0  }
0xa9: {  	s6 =	sshll.u32 s28, $0x1;
	[dreg:$0x2] =	wrdreg s4  }
0xaa: {  	[dreg:$0x3] =	wrdreg s6  }
0xab: {  	[dreg:$0x4] =	wrdreg $0xC0  }
0xac: {  	_ =	task [dreg:s8], $0x5FFFF  }
0xad: {  	[dreg:$0x1] =	wrdreg $0xFFFFFFFF  }
0xae: {  	[dreg:$0x0] =	wrdreg $0x60  }
0xaf: {  	[dreg:$0x2] =	wrdreg s2  }
0xb0: {  	[dreg:$0x3] =	wrdreg s18  }
0xb1: {  	[dreg:$0x4] =	wrdreg s24  }
0xb2: {  	[dreg:$0x5] =	wrdreg $0x9  }
0xb3: {  	_ =	task.clear_ibuf [dreg:s8], $0x6FFFF;
	_ =	strace $0x90000046  }
0xb4: {  	s29 =	simm.s32 $0x9;
	_ =	strace $0x80000048  }
0xb5: {  	_ =	swait.ge [sflag:s29], $0x1  }
0xb6: {  	[sflag:s29] =	ssyncadd.s32 $0xFFFFFFFF  }
0xb7: {  	_ =	strace $0x90000048  }
0xb8: {  	_ =	sfence  }
0xb9: {  	s30 =	sld [smem:$0x0];
	_ =	sdelay $0x2  }
0xba: {  	s31 =	sshll.u32 s1, $0xD;
	s1 =	sshrl.u32 s1, $0x2  }
0xbb: {  	s3 =	sand.u32 $0x4000, s31;
	s1 =	sadd.s32 s1, s30  }
0xbc: {  	s0 =	sor.u32 s3, s0;
	s1 =	sshll.u32 s1, $0x11  }
0xbd: {  	s0 =	sor.u32 s1, s0  }
0xbe: {  	s0 =	sadd.s32 $0x8F2B, s0  }
0xbf: {  	[sflag:s0] =	ssyncadd.remote.s32 $0x1  }
0xc0: {  	_ =	sfence.sel $0xFFFF  }
0xc1: {  	[dreg:$0x0] =	wrdreg $0xFFFFFFFF;
	(pc) =	sbr.abs _section_cstart, $3  }
0xc2: {  	[dreg:$0x1] =	wrdreg $0xFFFFFFFF  }
0xc3: {  	_ =	task.clear_ibuf [dreg:s8], $0x2FFFF;
	_ =	strace $0x9FFFFFFF  }
0xc4: {  	(tm) =	ssettm $0x7FFFFFFF  }
0xc5: {  	_ =	shalt  }
tec
execute0_lowered:
.L_overlay_start_1:
0x0: {  	(tag) =	ssettag $0x1  }
0x1: {  	s1 =	rddreg [dreg:$0x0]  }
0x2: {  	s3 =	rddreg [dreg:$0x1]  }
0x3: {  	s0 =	rddreg [dreg:$0x2];
	s2 =	srdreg.scid  }
0x4: {  	s6 =	stileid.u32;
	s4 =	simm.s32 $0x0;
	s16 =	simm.s32 $0xC000  }
0x5: {  	s17 =	simm.s32 $0x10000;
	s18 =	simm.s32 $0x14000;
	s19 =	simm.s32 $0x1  }
0x6: {  	s20 =	simm.s32 $0x2;
	s21 =	simm.s32 $0x3;
	s22 =	simm.s32 $0x4  }
0x7: {  	s23 =	simm.s32 $0x5;
	s24 =	simm.s32 $0x6;
	s26 =	simm.s32 $0x7  }
0x8: {  	s28 =	simm.s32 $0x0;
	s2 =	sand.u32 $0x1, s2;
	s5 =	sshll.u32 s6, $0x1  }
0x9: {  	[smem:$0x7FF] =	sst s4;
	s6 =	sshrl.u32 s6, $0x1;
	s5 =	sor.u32 s2, s5  }
0xa: {  	_ =	strace $0x80000047;
	s2 =	ssub.s32 $0x2, s2;
	s8 =	sand.u32 $0x3, s5  }
0xb: {  	s7 =	sshll.u32 s5, $0x4;
	s5 =	sshll.u32 s6, $0x13;
	s10 =	sshrl.u32 s2, $0x1  }
0xc: {  	s6 =	sshll.u32 s6, $0x12;
	s9 =	sshll.u32 s8, $0x10;
	s0 =	sadd.s32 s7, s0  }
0xd: {  	s2 =	ssub.s32 s2, s10;
	s8 =	sshll.u32 s8, $0x7;
	s30 =	sor.u32 s5, s9  }
0xe: {  	s31 =	sor.u32 s6, s9;
	s11 =	sor.u32 $0x40, s8;
	s7 =	sshrl.u32 s30, $0x3  }
0xf: {  	s12 =	sadd.s32 $0x200, s0;
	s10 =	sshrl.u32 s31, $0x3;
	s7 =	sadd.s32 s1, s7  }
0x10: {  	s13 =	smax.u32 s2, $0x1;
	s10 =	sadd.s32 s3, s10;
	s9 =	sadd.s32 $0x8000, s7  }
.LBB2_1:
0x11: {  	[tilespmem:s4], [sflag:$0x1] =	stream.linear.gather [hbm4b:s7+s4], $0x4000, $0x38;
	[tilespmem:$0x18080] =	vst v63  }
0x12: {  	s0 =	simm.s32 $0x4000;
	s31 =	simm.s32 $0x8000  }
0x13: {  	[tilespmem:s0], [sflag:$0x2] =	stream.linear.gather [hbm4b:s9+s4], $0x4000, $0x38;
	[tilespmem:$0x18080] =	vst v63  }
0x14: {  	p2 =	por $0x1, $0x1;
	p1 =	por $0x0, $0x0;
	s29 =	simm.s32 $0x0  }
0x15: {  	v0 =	vimm.f32 $0.0e+00;
	[tilespmem:s31], [sflag:$0x3] =	stream.linear.gather [hbm4b:s10+s4], $0x4000, $0x38;
	[tilespmem:$0x18080] =	vst v63  }
.LBB2_2:
0x16: {  	s0 =	sor.u32 s29, s8  }
0x17: {  	s0 =	sshll.u32 s0, $0x9  }
0x18: {  	s0 =	sor.u32 $0x4000, s0  }
0x19: {  	s2 =	sor.u32 s5, s0  }
0x1a: {  	s30 =	simm.s32 $0x0;
	s2 =	sshrl.u32 s2, $0x3  }
0x1b: {  	s0 =	sor.u32 s6, s0;
	s14 =	sadd.s32 s1, s2;
	s2 =	sor.u32 $0x8000, s2  }
0x1c: {  	[tilespmem:s16], [sflag:$0x4] =	stream.linear.gather [hbm4b:s14+s30], $0x4000, $0x38;
	[tilespmem:$0x18080] =	vst v63  }
0x1d: {  	s0 =	sshrl.u32 s0, $0x3;
	s2 =	sadd.s32 s1, s2  }
0x1e: {  	[tilespmem:s17], [sflag:$0x5] =	stream.linear.gather [hbm4b:s2+s30], $0x4000, $0x38;
	[tilespmem:$0x18080] =	vst v63  }
0x1f: {  	s0 =	sadd.s32 s3, s0  }
0x20: {  	[tilespmem:s18], [sflag:$0x6] =	stream.linear.gather [hbm4b:s0+s30], $0x4000, $0x38;
	[tilespmem:$0x18080] =	vst v63  }
0x21: {  	_ =	swait.ge [sflag:s19], $0x4000  }
0x22: {  	[sflag:s19] =	ssyncset.done $0x0  }
0x23: {  	[sflag:s19] =	ssyncadd.s32 $0xFFFFC000  }
0x24: {  	_ =	swait.ge [sflag:s20], $0x4000  }
0x25: {  	[sflag:s20] =	ssyncset.done $0x0  }
0x26: {  	[sflag:s20] =	ssyncadd.s32 $0xFFFFC000  }
0x27: {  	_ =	swait.ge [sflag:s21], $0x4000  }
0x28: {  	p0 =	por p2, p2;
	[sflag:s21] =	ssyncset.done $0x0  }
0x29: {  	s31 =	simm.s32 $0x0;
	s0 =	simm.s32 $0x0;
	[sflag:s21] =	ssyncadd.s32 $0xFFFFC000  }
.LBB2_3:
0x2a: {  	s2 =	sshll.u32 s31, $0x2;
	s14 =	sand.u32 $0x7, s30  }
0x2b: {  	s2 =	sand.u32 $0xFFFFC000, s2;
	s14 =	sshll.u32 s14, $0x9  }
0x2c: {  	s2 =	sor.u32 s14, s2  }
0x2d: {  	s2 =	sshrl.u32 s2, $0x2  }
0x2e: {  	s15 =	sadd.s32 $0x8040, s2  }
0x2f: {  	s25 =	sor.u32 $0x40, s2;
	v1 =	vld [tilespmem:s15+$0x30]  }
0x30: {  	s2 =	sadd.s32 $0x4040, s2;
	v2 =	vld [tilespmem:s25+$0x30]  }
0x31: {  	v3 =	vld [tilespmem:s2+$0x20]  }
0x32: {  	v4 =	vld [tilespmem:s15+$0x20]  }
0x33: {  	v5 =	vld [tilespmem:s2+$0x30]  }
0x34: {  	v6 =	vld [tilespmem:s25+$0x20]  }
0x35: {  	v7 =	vld [tilespmem:s15+$0x0]  }
0x36: {  	v8 =	vld [tilespmem:s2+$0xFFFFFFF0]  }
0x37: {  	v9 =	vld [tilespmem:s25+$0x0]  }
0x38: {  	v10 =	vld [tilespmem:s2+$0x0]  }
0x39: {  	v11 =	vld [tilespmem:s15+$0xFFFFFFF0]  }
0x3a: {  	v12 =	vld [tilespmem:s2+$0xFFFFFFE0]  }
0x3b: {  	v13 =	vld [tilespmem:s2+$0xFFFFFFD0]  }
0x3c: {  	v3 =	vsub.f32 v3, v6;
	v6 =	vld [tilespmem:s25+$0xFFFFFFF0]  }
0x3d: {  	v4 =	vshll.u32 v4, $0x1F;
	v2 =	vsub.f32 v5, v2;
	v5 =	vsub.f32 v10, v9;
	v9 =	vld [tilespmem:s25+$0xFFFFFFE0]  }
0x3e: {  	v10 =	vld [tilespmem:s15+$0xFFFFFFE0];
	v3 =	vxor.u32 v3, v4  }
0x3f: {  	v7 =	vshll.u32 v7, $0x1F;
	v4 =	vld [tilespmem:s25+$0xFFFFFFD0];
	v3 =	vmul.f32 $1.442695020e+00, v3  }
0x40: {  	v14 =	vld [tilespmem:s15+$0xFFFFFFD0];
	v5 =	vxor.u32 v5, v7  }
0x41: {  	s14 =	sadd.s32 $0x400, s25;
	v1 =	vshll.u32 v1, $0x1F;
	v5 =	vmul.f32 $1.442695020e+00, v5;
	(erf) = vpow2.f32 v3  }
0x42: {  	v20 =	vld [tilespmem:s14+$0xFFFFFFC0];
	v1 =	vxor.u32 v2, v1;
	v7 =	vshll.u32 v11, $0x1F;
	v6 =	vsub.f32 v8, v6  }
0x43: {  	v1 =	vmul.f32 $1.442695020e+00, v1;
	v3 =	vld [tilespmem:s2+$0x10];
	(erf) = vpow2.f32 v5;
	v5 =	vsub.f32 v12, v9  }
0x44: {  	v10 =	vshll.u32 v10, $0x1F;
	v6 =	vxor.u32 v6, v7;
	v4 =	vsub.f32 v13, v4;
	v7 =	vld [tilespmem:s25+$0x10]  }
0x45: {  	v11 =	vshll.u32 v14, $0x1F;
	v8 =	vld [tilespmem:s15+$0x10];
	(erf) = vpow2.f32 v1;
	v5 =	vxor.u32 v5, v10  }
0x46: {  	v2 =	vld [tilespmem:s25+$0xFFFFFFC0];
	v6 =	vmul.f32 $1.442695020e+00, v6;
	v1 =	vxor.u32 v4, v11;
	v5 =	vmul.f32 $1.442695020e+00, v5  }
0x47: {  	v9 =	vld [tilespmem:s2+$0xFFFFFFC0];
	v1 =	vmul.f32 $1.442695020e+00, v1  }
0x48: {  	v4 =	vld [tilespmem:s15+$0xFFFFFFC0];
	(erf) = vpow2.f32 v6  }
0x49: {  	v24 =	vld [tilespmem:s14+$0x30];
	(erf) = vpow2.f32 v1;
	v1 =	vsub.f32 v3, v7  }
0x4a: {  	v48 =	vld [tilespmem:s14+$0x20];
	v3 =	vshll.u32 v8, $0x1F;
	(erf) = vpow2.f32 v5;
	v5 =	vpop (erf)  }
0x4b: {  	v34 =	vld [tilespmem:s14+$0x0];
	v1 =	vxor.u32 v1, v3;
	v3 =	vadd.f32 $1.000000000e+00, v5  }
0x4c: {  	v57 =	vld [tilespmem:s14+$0xFFFFFFD0];
	v2 =	vsub.f32 v9, v2  }
0x4d: {  	v58 =	vld [tilespmem:s14+$0xFFFFFFE0];
	s25 =	sadd.s32 $0x400, s15;
	v4 =	vshll.u32 v4, $0x1F  }
0x4e: {  	v27 =	vld [tilespmem:s25+$0x20];
	v2 =	vxor.u32 v2, v4;
	v1 =	vmul.f32 $1.442695020e+00, v1  }
0x4f: {  	v29 =	vld [tilespmem:s25+$0x0];
	v2 =	vmul.f32 $1.442695020e+00, v2;
	(erf) = vrcp.f32 v3;
	v3 =	vpop (erf)  }
0x50: {  	v31 =	vld [tilespmem:s25+$0x10];
	(erf) = vpow2.f32 v1;
	v1 =	vadd.f32 $1.000000000e+00, v3;
	v3 =	vpop (erf)  }
0x51: {  	v38 =	vld [tilespmem:s25+$0xFFFFFFF0];
	v3 =	vadd.f32 $1.000000000e+00, v3  }
0x52: {  	v41 =	vld [tilespmem:s25+$0xFFFFFFE0];
	s15 =	sadd.s32 $0x400, s2  }
0x53: {  	v25 =	vld [tilespmem:s15+$0x20];
	(erf) = vpow2.f32 v2;
	v2 =	vpop (erf)  }
0x54: {  	v28 =	vld [tilespmem:s15+$0x30];
	(erf) = vrcp.f32 v1;
	v1 =	vadd.f32 $1.000000000e+00, v2;
	v2 =	vpop (erf)  }
0x55: {  	v36 =	vld [tilespmem:s15+$0x0];
	(erf) = vrcp.f32 v3;
	v3 =	vpop (erf)  }
0x56: {  	v39 =	vld [tilespmem:s15+$0xFFFFFFE0];
	v2 =	vadd.f32 $1.000000000e+00, v2;
	(erf) = vrcp.f32 v1;
	v1 =	vadd.f32 $1.000000000e+00, v3  }
0x57: {  	v54 =	vld [tilespmem:s15+$0xFFFFFFC0]  }
0x58: {  	v52 =	vld [tilespmem:s15+$0xFFFFFFD0];
	(erf) = vrcp.f32 v2  }
0x59: {  	v29 =	vshll.u32 v29, $0x1F;
	v31 =	vshll.u32 v31, $0x1F  }
0x5a: {  	v27 =	vshll.u32 v27, $0x1F;
	v24 =	vsub.f32 v28, v24;
	(erf) = vrcp.f32 v1;
	v1 =	vpop (erf)  }
0x5b: {  	v60 =	vshll.u32 v38, $0x1F;
	v25 =	vsub.f32 v25, v48;
	v34 =	vsub.f32 v36, v34;
	v2 =	vpop (erf)  }
0x5c: {  	v61 =	vshll.u32 v41, $0x1F;
	v20 =	vsub.f32 v54, v20;
	v2 =	vadd.f32 $1.000000000e+00, v2  }
0x5d: {  	v28 =	vsub.f32 v52, v57;
	v62 =	vsub.f32 v39, v58;
	v1 =	vmax.f32 v1, $9.999999930e-09;
	v3 =	vpop (erf)  }
0x5e: {  	v25 =	vxor.u32 v25, v27;
	v55 =	vxor.u32 v34, v29;
	v4 =	vand.u32 $0x7FFFFF, v1;
	v5 =	vpop (erf)  }
0x5f: {  	v25 =	vmul.f32 $1.442695020e+00, v25;
	v27 =	vmul.f32 $1.442695020e+00, v55;
	v4 =	vor.u32 $0x3F800000, v4;
	v6 =	vpop (erf)  }
0x60: {  	v3 =	vadd.f32 $1.000000000e+00, v3;
	v8 =	vmul.f32 $1.555145530e-01, v4;
	(erf) = vrcp.f32 v2;
	v2 =	vpop (erf)  }
0x61: {  	v7 =	vsub.f32 $1.000000000e+00, v1;
	v1 =	vshra.s32 v1, $0x17;
	v10 =	vmax.f32 v2, $9.999999930e-09;
	v11 =	vpop (erf)  }
0x62: {  	(erf) = vrcp.f32 v3;
	v3 =	vand.u32 $0x7FFFFF, v10;
	v11 =	vmax.f32 v11, $9.999999930e-09  }
0x63: {  	v59 =	vld [tilespmem:s25+$0xFFFFFFC0];
	v12 =	vor.u32 $0x3F800000, v3;
	v3 =	vadd.f32 $-1.039568780e+00, v8;
	v13 =	vand.u32 $0x7FFFFF, v11  }
0x64: {  	v1 =	vcvt.s32.f32 v1;
	v5 =	vmax.f32 v5, $9.999999930e-09;
	v8 =	vpop (erf);
	v13 =	vor.u32 $0x3F800000, v13  }
0x65: {  	v8 =	vmax.f32 v8, $9.999999930e-09;
	v3 =	vmul.f32 v4, v3;
	v16 =	vmul.f32 $1.555145530e-01, v13  }
0x66: {  	v7 =	vmul.f32 v7, v7;
	v9 =	vshra.s32 v5, $0x17;
	v14 =	vand.u32 $0x7FFFFF, v8  }
0x67: {  	v14 =	vor.u32 $0x3F800000, v14;
	v3 =	vadd.f32 $3.029932260e+00, v3;
	v16 =	vadd.f32 $-1.039568780e+00, v16  }
0x68: {  	(erf) = vpow2.f32 v25;
	v25 =	vshll.u32 v59, $0x1F;
	v18 =	vmul.f32 $1.555145530e-01, v14  }
0x69: {  	v22 =	vmul.f32 v4, v3;
	v3 =	vmax.f32 v6, $9.999999930e-09;
	v6 =	vmul.f32 v13, v16  }
0x6a: {  	v2 =	vcvt.s32.f32 v9;
	v9 =	vand.u32 $0x7FFFFF, v5;
	v5 =	vsub.f32 $1.000000000e+00, v5  }
0x6b: {  	(erf) = vpow2.f32 v27;
	v18 =	vadd.f32 $-1.039568780e+00, v18;
	v26 =	vadd.f32 $3.029932260e+00, v6  }
0x6c: {  	v15 =	vshra.s32 v11, $0x17;
	v23 =	vmul.f32 $1.555145530e-01, v12;
	v17 =	vshra.s32 v8, $0x17  }
0x6d: {  	v8 =	vsub.f32 $1.000000000e+00, v8;
	v18 =	vmul.f32 v14, v18;
	v13 =	vmul.f32 v13, v26  }
0x6e: {  	v9 =	vor.u32 $0x3F800000, v9;
	v15 =	vcvt.s32.f32 v15;
	v23 =	vadd.f32 $-1.039568780e+00, v23  }
0x6f: {  	v6 =	vmul.f32 v8, v8;
	v8 =	vadd.f32 $3.029932260e+00, v18;
	v13 =	vadd.f32 $-1.291451570e+02, v13  }
0x70: {  	v19 =	vshra.s32 v10, $0x17;
	v10 =	vsub.f32 $1.000000000e+00, v10;
	v37 =	vmul.f32 $1.555145530e-01, v9  }
0x71: {  	v14 =	vmul.f32 v14, v8;
	v8 =	vadd.f32 v15, v13;
	v13 =	vmul.f32 v12, v23  }
0x72: {  	v5 =	vmul.f32 v5, v5;
	v56 =	vadd.f32 $-1.039568780e+00, v37;
	v4 =	vsub.f32 $1.000000000e+00, v11  }
0x73: {  	v19 =	vcvt.s32.f32 v19;
	v11 =	vld [tilespmem:s25+$0x30];
	v22 =	vadd.f32 $-1.291451570e+02, v22;
	v13 =	vadd.f32 $3.029932260e+00, v13  }
0x74: {  	v17 =	vcvt.s32.f32 v17;
	v21 =	vpop (erf);
	v29 =	vmul.f32 v9, v56;
	v33 =	vand.u32 $0x7FFFFF, v3  }
0x75: {  	v49 =	vld [tilespmem:s14+$0x10];
	v16 =	vpop (erf);
	v33 =	vor.u32 $0x3F800000, v33;
	v1 =	vadd.f32 v1, v22;
	v12 =	vmul.f32 v12, v13  }
0x76: {  	v40 =	vld [tilespmem:s14+$0xFFFFFFF0];
	v21 =	vmax.f32 v21, $9.999999930e-09;
	v16 =	vmax.f32 v16, $9.999999930e-09;
	v50 =	vmul.f32 $1.555145530e-01, v33  }
0x77: {  	v18 =	vand.u32 $0x7FFFFF, v16;
	v1 =	vmul.f32 v1, v7;
	v7 =	vld [tilespmem:s15+$0xFFFFFFF0];
	v12 =	vadd.f32 $-1.291451570e+02, v12  }
0x78: {  	v32 =	vsub.f32 $1.000000000e+00, v21;
	v22 =	vld [tilespmem:s15+$0x10];
	v18 =	vor.u32 $0x3F800000, v18;
	v11 =	vshll.u32 v11, $0x1F  }
0x79: {  	v51 =	vadd.f32 $-1.039568780e+00, v50;
	v30 =	vmul.f32 $1.555145530e-01, v18;
	v19 =	vadd.f32 v19, v12;
	v12 =	vld [tilespmem:s25+$0xFFFFFFD0]  }
0x7a: {  	v35 =	vshra.s32 v16, $0x17;
	v16 =	vsub.f32 $1.000000000e+00, v16;
	v11 =	vxor.u32 v24, v11  }
0x7b: {  	v26 =	vmul.f32 v33, v51;
	v11 =	vmul.f32 $1.442695020e+00, v11;
	v23 =	vadd.f32 $-1.039568780e+00, v30  }
0x7c: {  	v15 =	vshra.s32 v21, $0x17;
	v14 =	vadd.f32 $-1.291451570e+02, v14;
	v7 =	vsub.f32 v7, v40  }
0x7d: {  	v53 =	vadd.f32 $3.029932260e+00, v26;
	v22 =	vsub.f32 v22, v49;
	(erf) = vpow2.f32 v11  }
0x7e: {  	v11 =	vadd.f32 $3.029932260e+00, v29;
	v7 =	vxor.u32 v7, v60;
	v12 =	vshll.u32 v12, $0x1F  }
0x7f: {  	v24 =	vmul.f32 v33, v53;
	v7 =	vmul.f32 $1.442695020e+00, v7;
	v12 =	vxor.u32 v28, v12  }
0x80: {  	v22 =	vxor.u32 v22, v31;
	v9 =	vmul.f32 v9, v11;
	v12 =	vmul.f32 $1.442695020e+00, v12  }
0x81: {  	(erf) = vpow2.f32 v7;
	v7 =	vxor.u32 v20, v25;
	v20 =	vxor.u32 v62, v61  }
0x82: {  	v11 =	vpop (erf);
	v20 =	vmul.f32 $1.442695020e+00, v20;
	(erf) = vpow2.f32 v12;
	v12 =	vand.u32 $0x7FFFFF, v21  }
0x83: {  	v11 =	vadd.f32 $1.000000000e+00, v11;
	v21 =	vmul.f32 $1.442695020e+00, v22;
	v12 =	vor.u32 $0x3F800000, v12  }
0x84: {  	v14 =	vadd.f32 v17, v14;
	(erf) = vpow2.f32 v20;
	v17 =	vmul.f32 $1.555145530e-01, v12  }
0x85: {  	v13 =	vshra.s32 v3, $0x17;
	(erf) = vrcp.f32 v11;
	v11 =	vmul.f32 v18, v23  }
0x86: {  	v3 =	vsub.f32 $1.000000000e+00, v3;
	v13 =	vcvt.s32.f32 v13;
	v7 =	vmul.f32 $1.442695020e+00, v7  }
0x87: {  	v24 =	vadd.f32 $-1.291451570e+02, v24;
	(erf) = vpow2.f32 v21;
	v17 =	vadd.f32 $-1.039568780e+00, v17  }
0x88: {  	v9 =	vadd.f32 $-1.291451570e+02, v9;
	v20 =	vpop (erf);
	(erf) = vpow2.f32 v7;
	v7 =	vadd.f32 $3.029932260e+00, v11  }
0x89: {  	v20 =	vadd.f32 $1.000000000e+00, v20;
	v21 =	vmul.f32 v10, v10;
	v11 =	vpop (erf);
	v10 =	vmul.f32 v12, v17  }
0x8a: {  	v3 =	vmul.f32 v3, v3;
	v7 =	vmul.f32 v18, v7;
	v11 =	vadd.f32 $1.000000000e+00, v11  }
0x8b: {  	v13 =	vadd.f32 v13, v24;
	(erf) = vrcp.f32 v20;
	v10 =	vadd.f32 $3.029932260e+00, v10  }
0x8c: {  	v18 =	vcvt.s32.f32 v35;
	v17 =	vpop (erf);
	v7 =	vadd.f32 $-1.291451570e+02, v7;
	(erf) = vrcp.f32 v11  }
0x8d: {  	v11 =	vadd.f32 v2, v9;
	v9 =	vmul.f32 v12, v10;
	v12 =	vmul.f32 v16, v16  }
0x8e: {  	v6 =	vmul.f32 v14, v6;
	v17 =	vadd.f32 $1.000000000e+00, v17;
	v2 =	vpop (erf);
	v7 =	vadd.f32 v18, v7  }
0x8f: {  	v3 =	vmul.f32 v13, v3;
	v2 =	vadd.f32 $1.000000000e+00, v2;
	v11 =	vmul.f32 v11, v5;
	v10 =	vpop (erf)  }
0x90: {  	(erf) = vrcp.f32 v17;
	v16 =	vmul.f32 v7, v12;
	v10 =	vadd.f32 $1.000000000e+00, v10;
	v13 =	vpop (erf)  }
0x91: {  	v9 =	vadd.f32 $-1.291451570e+02, v9;
	v7 =	vcvt.s32.f32 v15;
	v12 =	vpop (erf);
	(erf) = vrcp.f32 v2  }
0x92: {  	v13 =	vmax.f32 v13, $9.999999930e-09;
	v2 =	vmul.f32 v32, v32;
	(erf) = vrcp.f32 v10  }
0x93: {  	v7 =	vadd.f32 v7, v9;
	v0 =	vadd.f32 v16, v0;
	v10 =	vmul.f32 v4, v4  }
0x94: {  	v17 =	vadd.f32 $1.000000000e+00, v12;
	v9 =	vand.u32 $0x7FFFFF, v13;
	v4 =	vsub.f32 $1.000000000e+00, v13  }
0x95: {  	v15 =	vpop (erf);
	v12 =	vshra.s32 v13, $0x17;
	v13 =	vor.u32 $0x3F800000, v9;
	v8 =	vmul.f32 v8, v10  }
0x96: {  	v15 =	vadd.f32 $1.000000000e+00, v15;
	v7 =	vmul.f32 v7, v2;
	v18 =	vmul.f32 $1.555145530e-01, v13;
	v2 =	vpop (erf)  }
0x97: {  	(erf) = vrcp.f32 v17;
	v16 =	vmax.f32 v2, $9.999999930e-09;
	v0 =	vadd.f32 v8, v0  }
0x98: {  	v10 =	vpop (erf);
	v17 =	vadd.f32 $-1.039568780e+00, v18;
	v2 =	vshra.s32 v16, $0x17;
	v14 =	vand.u32 $0x7FFFFF, v16  }
0x99: {  	v16 =	vsub.f32 $1.000000000e+00, v16;
	v9 =	vpop (erf);
	v0 =	vadd.f32 v6, v0;
	v6 =	vmul.f32 v19, v21  }
0x9a: {  	v2 =	vcvt.s32.f32 v2;
	(erf) = vrcp.f32 v15;
	v9 =	vmax.f32 v9, $9.999999930e-09;
	v15 =	vpop (erf)  }
0x9b: {  	v8 =	vand.u32 $0x7FFFFF, v9;
	v20 =	vadd.f32 v6, v0;
	v0 =	vmul.f32 v13, v17;
	v18 =	vpop (erf)  }
0x9c: {  	v8 =	vor.u32 $0x3F800000, v8;
	v5 =	vmax.f32 v15, $9.999999930e-09;
	v6 =	vmax.f32 v18, $9.999999930e-09  }
0x9d: {  	v15 =	vand.u32 $0x7FFFFF, v5;
	v63 =	vadd.f32 $3.029932260e+00, v0;
	v18 =	vand.u32 $0x7FFFFF, v6  }
0x9e: {  	v0 =	vmul.f32 v16, v16;
	v21 =	vor.u32 $0x3F800000, v15;
	v18 =	vor.u32 $0x3F800000, v18  }
0x9f: {  	v17 =	vshra.s32 v5, $0x17;
	v22 =	vmul.f32 $1.555145530e-01, v21;
	v23 =	vmul.f32 $1.555145530e-01, v18  }
0xa0: {  	s14 =	sadd.s32 $0x400, s14;
	v16 =	vadd.f32 v11, v20;
	v19 =	vshra.s32 v6, $0x17;
	v15 =	vshra.s32 v9, $0x17  }
0xa1: {  	s2 =	simm.s32 $0x8;
	s15 =	sadd.s32 $0x400, s15;
	s25 =	sadd.s32 $0x400, s25;
	v20 =	vpop (erf);
	v13 =	vmul.f32 v13, v63;
	v22 =	vadd.f32 $-1.039568780e+00, v22;
	v11 =	vadd.f32 $-1.039568780e+00, v23  }
.LBB2_4:
0xa2: {  	v23 =	vld [tilespmem:s14+$0xFFFFFFC0];
	s2 =	sadd.s32 $0x8, s2;
	v5 =	vsub.f32 $1.000000000e+00, v5;
	v24 =	vmul.f32 $1.555145530e-01, v8;
	v10 =	vmax.f32 v10, $9.999999930e-09  }
0xa3: {  	v6 =	vsub.f32 $1.000000000e+00, v6;
	v25 =	vld [tilespmem:s25+$0x30];
	p2 =	slt.u32 s2, $0x18;
	v22 =	vmul.f32 v21, v22;
	v26 =	vmul.f32 v18, v11;
	v11 =	vpop (erf)  }
0xa4: {  	v12 =	vcvt.s32.f32 v12;
	v28 =	vadd.f32 $-1.291451570e+02, v13;
	v27 =	vld [tilespmem:s14+$0x30];
	v11 =	vmax.f32 v11, $9.999999930e-09  }
0xa5: {  	v6 =	vmul.f32 v6, v6;
	v29 =	vld [tilespmem:s15+$0x20];
	v22 =	vadd.f32 $3.029932260e+00, v22;
	v26 =	vadd.f32 $3.029932260e+00, v26  }
0xa6: {  	v32 =	vor.u32 $0x3F800000, v14;
	v13 =	vsub.f32 $1.000000000e+00, v9;
	v31 =	vand.u32 $0x7FFFFF, v11;
	v30 =	vld [tilespmem:s25+$0x20]  }
0xa7: {  	v12 =	vadd.f32 v12, v28;
	v33 =	vld [tilespmem:s15+$0x30];
	v9 =	vmul.f32 v21, v22;
	v21 =	vadd.f32 $-1.039568780e+00, v24  }
0xa8: {  	v19 =	vcvt.s32.f32 v19;
	v4 =	vmul.f32 v4, v4;
	v14 =	vor.u32 $0x3F800000, v31;
	v22 =	vld [tilespmem:s14+$0x20]  }
0xa9: {  	v17 =	vcvt.s32.f32 v17;
	v18 =	vmul.f32 v18, v26;
	v24 =	vld [tilespmem:s15+$0x10];
	v9 =	vadd.f32 $-1.291451570e+02, v9  }
0xaa: {  	v20 =	vmax.f32 v20, $9.999999930e-09;
	v28 =	vmul.f32 $1.555145530e-01, v14;
	v31 =	vmul.f32 v12, v4;
	v26 =	vld [tilespmem:s25+$0x0]  }
0xab: {  	v12 =	vshra.s32 v20, $0x17;
	v34 =	vld [tilespmem:s25+$0x10];
	v9 =	vadd.f32 v17, v9;
	v17 =	vmul.f32 v8, v21  }
0xac: {  	v35 =	vand.u32 $0x7FFFFF, v10;
	v4 =	vsub.f32 $1.000000000e+00, v20;
	v28 =	vadd.f32 $-1.039568780e+00, v28;
	v21 =	vld [tilespmem:s15+$0xFFFFFFF0]  }
0xad: {  	v35 =	vor.u32 $0x3F800000, v35;
	v37 =	vshra.s32 v11, $0x17;
	v25 =	vshll.u32 v25, $0x1F;
	v36 =	vld [tilespmem:s14+$0x10]  }
0xae: {  	v7 =	vadd.f32 v7, v16;
	v39 =	vmul.f32 $1.555145530e-01, v32;
	v17 =	vadd.f32 $3.029932260e+00, v17;
	v38 =	vld [tilespmem:s14+$0x0]  }
0xaf: {  	v27 =	vsub.f32 v33, v27;
	v33 =	vcvt.s32.f32 v15;
	v15 =	vmul.f32 $1.555145530e-01, v35;
	v16 =	vld [tilespmem:s15+$0x0]  }
0xb0: {  	v7 =	vadd.f32 v1, v7;
	v1 =	vmovc v31;
	v8 =	vmul.f32 v8, v17;
	v17 =	vshra.s32 v10, $0x17;
	v40 =	vld [tilespmem:s25+$0xFFFFFFF0]  }
0xb1: {  	v22 =	vsub.f32 v29, v22;
	v29 =	vadd.f32 $-1.039568780e+00, v15;
	v26 =	vshll.u32 v26, $0x1F;
	v31 =	vld [tilespmem:s15+$0xFFFFFFE0]  }
0xb2: {  	v15 =	vadd.f32 v3, v7;
	v34 =	vshll.u32 v34, $0x1F;
	v8 =	vadd.f32 $-1.291451570e+02, v8;
	v41 =	vld [tilespmem:s15+$0xFFFFFFD0]  }
0xb3: {  	v18 =	vadd.f32 $-1.291451570e+02, v18;
	v7 =	vshll.u32 v30, $0x1F;
	v29 =	vmul.f32 v35, v29;
	v3 =	vld [tilespmem:s14+$0xFFFFFFF0]  }
0xb4: {  	v7 =	vxor.u32 v22, v7;
	v8 =	vadd.f32 v33, v8;
	v30 =	vld [tilespmem:s25+$0xFFFFFFE0];
	v38 =	vsub.f32 v16, v38  }
0xb5: {  	v25 =	vxor.u32 v27, v25;
	v16 =	vadd.f32 v19, v18;
	v18 =	vadd.f32 $3.029932260e+00, v29;
	v22 =	vld [tilespmem:s25+$0xFFFFFFD0]  }
0xb6: {  	v27 =	vadd.f32 $-1.039568780e+00, v39;
	v7 =	vmul.f32 $1.442695020e+00, v7;
	v19 =	vld [tilespmem:s15+$0xFFFFFFC0];
	v26 =	vxor.u32 v38, v26  }
0xb7: {  	v25 =	vmul.f32 $1.442695020e+00, v25;
	v24 =	vsub.f32 v24, v36;
	v18 =	vmul.f32 v35, v18;
	v29 =	vld [tilespmem:s14+$0xFFFFFFD0]  }
0xb8: {  	v33 =	vld [tilespmem:s14+$0xFFFFFFE0];
	v3 =	vsub.f32 v21, v3;
	(erf) = vpow2.f32 v7;
	v7 =	vcvt.s32.f32 v17  }
0xb9: {  	v26 =	vmul.f32 $1.442695020e+00, v26;
	v21 =	vshll.u32 v40, $0x1F;
	v18 =	vadd.f32 $-1.291451570e+02, v18;
	v17 =	vld [tilespmem:s25+$0xFFFFFFC0]  }
0xba: {  	v22 =	vshll.u32 v22, $0x1F;
	v3 =	vxor.u32 v3, v21;
	v21 =	vmul.f32 v32, v27  }
0xbb: {  	v7 =	vadd.f32 v7, v18;
	v19 =	vsub.f32 v19, v23;
	v23 =	vshll.u32 v30, $0x1F  }
0xbc: {  	v3 =	vmul.f32 $1.442695020e+00, v3;
	v18 =	vsub.f32 v41, v29;
	(erf) = vpow2.f32 v26  }
0xbd: {  	v21 =	vadd.f32 $3.029932260e+00, v21;
	v26 =	vsub.f32 v31, v33;
	(erf) = vpow2.f32 v25  }
0xbe: {  	v17 =	vshll.u32 v17, $0x1F;
	v18 =	vxor.u32 v18, v22;
	(erf) = vpow2.f32 v3  }
0xbf: {  	v3 =	vxor.u32 v19, v17;
	v22 =	vmul.f32 $1.442695020e+00, v18;
	v18 =	vxor.u32 v26, v23  }
0xc0: {  	v21 =	vmul.f32 v32, v21;
	v19 =	vxor.u32 v24, v34;
	v18 =	vmul.f32 $1.442695020e+00, v18  }
0xc1: {  	v20 =	vand.u32 $0x7FFFFF, v20;
	v3 =	vmul.f32 $1.442695020e+00, v3;
	(erf) = vpow2.f32 v22;
	v17 =	vpop (erf)  }
0xc2: {  	v20 =	vor.u32 $0x3F800000, v20;
	v19 =	vmul.f32 $1.442695020e+00, v19;
	v17 =	vadd.f32 $1.000000000e+00, v17  }
0xc3: {  	(erf) = vpow2.f32 v18;
	v18 =	vadd.f32 $-1.291451570e+02, v21;
	v21 =	vmul.f32 $1.555145530e-01, v20  }
0xc4: {  	(erf) = vrcp.f32 v17;
	v17 =	vmul.f32 v14, v28  }
0xc5: {  	v22 =	vpop (erf);
	(erf) = vpow2.f32 v19;
	v18 =	vadd.f32 v2, v18;
	v2 =	vadd.f32 $-1.039568780e+00, v21  }
0xc6: {  	v19 =	vadd.f32 $1.000000000e+00, v22;
	(erf) = vpow2.f32 v3;
	v3 =	vpop (erf);
	v17 =	vadd.f32 $3.029932260e+00, v17  }
0xc7: {  	v11 =	vsub.f32 $1.000000000e+00, v11;
	v13 =	vmul.f32 v13, v13;
	v21 =	vpop (erf);
	v2 =	vmul.f32 v20, v2  }
0xc8: {  	v3 =	vadd.f32 $1.000000000e+00, v3;
	(erf) = vrcp.f32 v19;
	v14 =	vmul.f32 v14, v17  }
0xc9: {  	v10 =	vsub.f32 $1.000000000e+00, v10;
	v17 =	vcvt.s32.f32 v37;
	v2 =	vadd.f32 $3.029932260e+00, v2  }
0xca: {  	v19 =	vadd.f32 $1.000000000e+00, v21;
	v21 =	vpop (erf);
	(erf) = vrcp.f32 v3;
	v3 =	vadd.f32 $-1.291451570e+02, v14  }
0xcb: {  	v10 =	vmul.f32 v10, v10;
	v14 =	vadd.f32 $1.000000000e+00, v21;
	v2 =	vmul.f32 v20, v2  }
0xcc: {  	v11 =	vmul.f32 v11, v11;
	v20 =	vpop (erf);
	(erf) = vrcp.f32 v19;
	v21 =	vadd.f32 v17, v3  }
0xcd: {  	v3 =	vmul.f32 v7, v10;
	v19 =	vadd.f32 $1.000000000e+00, v20;
	v20 =	vpop (erf);
	v2 =	vadd.f32 $-1.291451570e+02, v2  }
0xce: {  	v10 =	vcvt.s32.f32 v12;
	v7 =	vpop (erf);
	v11 =	vmul.f32 v21, v11  }
0xcf: {  	v12 =	vmax.f32 v20, $9.999999930e-09;
	v17 =	vpop (erf);
	(erf) = vrcp.f32 v14;
	v14 =	vmul.f32 v4, v4  }
0xd0: {  	v20 =	vadd.f32 $1.000000000e+00, v7;
	v2 =	vadd.f32 v10, v2;
	(erf) = vrcp.f32 v19  }
0xd1: {  	v5 =	vmul.f32 v5, v5;
	v21 =	vand.u32 $0x7FFFFF, v12;
	v17 =	vadd.f32 $1.000000000e+00, v17;
	v19 =	vpop (erf)  }
0xd2: {  	v4 =	vsub.f32 $1.000000000e+00, v12;
	v12 =	vshra.s32 v12, $0x17;
	v7 =	vmul.f32 v2, v14  }
0xd3: {  	v5 =	vmul.f32 v9, v5;
	v23 =	vor.u32 $0x3F800000, v21;
	v2 =	vadd.f32 v11, v15;
	v10 =	vpop (erf)  }
0xd4: {  	v15 =	vmul.f32 $1.555145530e-01, v23;
	v11 =	vmax.f32 v19, $9.999999930e-09;
	(erf) = vrcp.f32 v20  }
0xd5: {  	v6 =	vmul.f32 v16, v6;
	v14 =	vshra.s32 v11, $0x17;
	v5 =	vadd.f32 v5, v2;
	v9 =	vpop (erf)  }
0xd6: {  	v2 =	vcvt.s32.f32 v14;
	v14 =	vand.u32 $0x7FFFFF, v11;
	v9 =	vmax.f32 v9, $9.999999930e-09  }
0xd7: {  	v5 =	vadd.f32 v6, v5;
	v6 =	vmul.f32 v8, v13;
	v19 =	vand.u32 $0x7FFFFF, v9  }
0xd8: {  	v13 =	vadd.f32 $-1.039568780e+00, v15;
	v8 =	vor.u32 $0x3F800000, v19;
	(erf) = vrcp.f32 v17;
	v15 =	vpop (erf)  }
0xd9: {  	v24 =	vmul.f32 v18, v0;
	v11 =	vsub.f32 $1.000000000e+00, v11;
	v22 =	vadd.f32 v6, v5;
	v16 =	vpop (erf)  }
0xda: {  	v0 =	vmul.f32 v23, v13;
	v5 =	vmax.f32 v15, $9.999999930e-09;
	v6 =	vmax.f32 v16, $9.999999930e-09  }
.Ltmp0:
0xdb: {  	v17 =	vshra.s32 v5, $0x17;
	v13 =	vand.u32 $0x7FFFFF, v5;
	v15 =	vand.u32 $0x7FFFFF, v6;
	(pc) =	sbr.rel @p2 .LBB2_4-.Ltmp0, $4  }
0xdc: {  	v21 =	vor.u32 $0x3F800000, v13;
	v19 =	vshra.s32 v6, $0x17;
	v18 =	vor.u32 $0x3F800000, v15  }
0xdd: {  	v26 =	vadd.f32 $3.029932260e+00, v0;
	v13 =	vmul.f32 $1.555145530e-01, v21;
	v25 =	vmul.f32 $1.555145530e-01, v18;
	v20 =	vpop (erf)  }
0xde: {  	v0 =	vmul.f32 v11, v11;
	v16 =	vadd.f32 v24, v22;
	v15 =	vshra.s32 v9, $0x17  }
0xdf: {  	s15 =	sadd.s32 $0x400, s15;
	s14 =	sadd.s32 $0x400, s14;
	s25 =	sadd.s32 $0x400, s25;
	v22 =	vadd.f32 $-1.039568780e+00, v13;
	v13 =	vmul.f32 v23, v26;
	v11 =	vadd.f32 $-1.039568780e+00, v25  }
0xe0: {  	v5 =	vsub.f32 $1.000000000e+00, v5;
	v23 =	vmul.f32 $1.555145530e-01, v8  }
0xe1: {  	v10 =	vmax.f32 v10, $9.999999930e-09;
	v6 =	vsub.f32 $1.000000000e+00, v6;
	v12 =	vcvt.s32.f32 v12  }
0xe2: {  	v9 =	vsub.f32 $1.000000000e+00, v9;
	v14 =	vor.u32 $0x3F800000, v14;
	v19 =	vcvt.s32.f32 v19;
	v24 =	vpop (erf)  }
0xe3: {  	v17 =	vcvt.s32.f32 v17;
	v45 =	vmax.f32 v20, $9.999999930e-09;
	v24 =	vmax.f32 v24, $9.999999930e-09  }
0xe4: {  	v7 =	vadd.f32 v7, v16;
	v15 =	vcvt.s32.f32 v15;
	v25 =	vand.u32 $0x7FFFFF, v24  }
0xe5: {  	v22 =	vmul.f32 v21, v22;
	v11 =	vmul.f32 v18, v11;
	v43 =	vor.u32 $0x3F800000, v25  }
0xe6: {  	v13 =	vadd.f32 $-1.291451570e+02, v13;
	v47 =	vsub.f32 $1.000000000e+00, v45;
	v44 =	vmul.f32 $1.555145530e-01, v43  }
0xe7: {  	v48 =	vand.u32 $0x7FFFFF, v10;
	v26 =	vmul.f32 $1.555145530e-01, v14;
	v52 =	vand.u32 $0x7FFFFF, v45  }
0xe8: {  	v6 =	vmul.f32 v6, v6;
	v12 =	vadd.f32 v12, v13;
	v13 =	vadd.f32 $-1.039568780e+00, v44  }
0xe9: {  	v23 =	vadd.f32 $-1.039568780e+00, v23;
	v1 =	vadd.f32 v1, v7;
	v5 =	vmul.f32 v5, v5  }
0xea: {  	v53 =	vor.u32 $0x3F800000, v52;
	v9 =	vmul.f32 v9, v9;
	v13 =	vmul.f32 v43, v13  }
0xeb: {  	v22 =	vadd.f32 $3.029932260e+00, v22;
	v11 =	vadd.f32 $3.029932260e+00, v11;
	v49 =	vshra.s32 v24, $0x17  }
0xec: {  	v54 =	vadd.f32 $-1.039568780e+00, v26;
	v55 =	vmul.f32 $1.555145530e-01, v53;
	v13 =	vadd.f32 $3.029932260e+00, v13  }
0xed: {  	v24 =	vsub.f32 $1.000000000e+00, v24;
	v46 =	vmul.f32 v8, v23;
	v23 =	vor.u32 $0x3F800000, v48  }
0xee: {  	v25 =	vcvt.s32.f32 v49;
	v1 =	vadd.f32 v3, v1;
	v13 =	vmul.f32 v43, v13  }
0xef: {  	v42 =	vmul.f32 v21, v22;
	v11 =	vmul.f32 v18, v11;
	v20 =	vadd.f32 $3.029932260e+00, v46  }
0xf0: {  	v50 =	vmul.f32 $1.555145530e-01, v23;
	v22 =	vadd.f32 $-1.039568780e+00, v55;
	v13 =	vadd.f32 $-1.291451570e+02, v13  }
0xf1: {  	v21 =	vadd.f32 $-1.291451570e+02, v42;
	v51 =	vmul.f32 v8, v20;
	v20 =	vmul.f32 v14, v54  }
0xf2: {  	v3 =	vmul.f32 v24, v24;
	v16 =	vadd.f32 $-1.039568780e+00, v50;
	v13 =	vadd.f32 v25, v13  }
0xf3: {  	v22 =	vmul.f32 v53, v22;
	v11 =	vadd.f32 $-1.291451570e+02, v11;
	v20 =	vadd.f32 $3.029932260e+00, v20  }
0xf4: {  	v17 =	vadd.f32 v17, v21;
	v16 =	vmul.f32 v23, v16;
	v3 =	vmul.f32 v13, v3  }
0xf5: {  	v57 =	vadd.f32 $3.029932260e+00, v22;
	v11 =	vadd.f32 v19, v11;
	v56 =	vmul.f32 v14, v20  }
0xf6: {  	v8 =	vadd.f32 $-1.291451570e+02, v51;
	v1 =	vadd.f32 v3, v1;
	v3 =	vmul.f32 v17, v5  }
0xf7: {  	v58 =	vadd.f32 $3.029932260e+00, v16;
	v7 =	vmul.f32 v53, v57;
	v13 =	vadd.f32 $-1.291451570e+02, v56  }
0xf8: {  	v8 =	vadd.f32 v15, v8;
	v1 =	vadd.f32 v3, v1;
	v3 =	vmul.f32 v11, v6  }
0xf9: {  	v59 =	vshra.s32 v45, $0x17;
	v7 =	vadd.f32 $-1.291451570e+02, v7;
	v2 =	vadd.f32 v2, v13  }
0xfa: {  	v6 =	vcvt.s32.f32 v59;
	v1 =	vadd.f32 v3, v1;
	v3 =	vmul.f32 v8, v9  }
0xfb: {  	v60 =	vshra.s32 v10, $0x17;
	v61 =	vmul.f32 v47, v47;
	v5 =	vmul.f32 v23, v58  }
0xfc: {  	v0 =	vmul.f32 v2, v0;
	v6 =	vadd.f32 v6, v7;
	v1 =	vadd.f32 v3, v1  }
0xfd: {  	v63 =	vsub.f32 $1.000000000e+00, v10;
	v2 =	vmul.f32 v4, v4;
	v62 =	vadd.f32 $-1.291451570e+02, v5  }
0xfe: {  	s0 =	sadd.s32 $0x1, s0;
	v3 =	vcvt.s32.f32 v60;
	v6 =	vmul.f32 v6, v61;
	v0 =	vadd.f32 v0, v1  }
0xff: {  	p2 =	sne.s32 s0, $0x20;
	v1 =	vmul.f32 v12, v2  }
.Ltmp1:
0x100: {  	v2 =	vadd.f32 v3, v62;
	v3 =	vmul.f32 v63, v63;
	v0 =	vadd.f32 v6, v0;
	(pc) =	sbr.rel @p2 .LBB2_3-.Ltmp1, $3  }
0x101: {  	_ = 	snop  }
0x102: {  	v2 =	vmul.f32 v2, v3;
	v0 =	vadd.f32 v1, v0;
	_ =	sdelay $0x1  }
0x103: {  	s31 =	sadd.s32 $0x200, s31;
	s30 =	sadd.s32 $0x1, s30;
	v0 =	vadd.f32 v2, v0  }
0x104: {  	s0 =	sadd.s32 @!p1 s29, s11  }
0x105: {  	s0 =	sshll.u32 @!p1 s0, $0x9  }
0x106: {  	s2 =	sor.u32 @!p1 s5, s0  }
0x107: {  	s2 =	sshrl.u32 @!p1 s2, $0x3  }
0x108: {  	s14 =	simm.s32 @!p1 $0x0;
	s0 =	sadd.s32 @!p1 s6, s0;
	s2 =	sadd.s32 @!p1 s1, s2  }
0x109: {  	[tilespmem:s14], [sflag:$0x1] =	stream.linear.gather @!p1 [hbm4b:s2+s14], $0x4000, $0x38;
	[tilespmem:$0x18080] =	vst v63  }
0x10a: {  	s15 =	simm.s32 @!p1 $0x4000;
	s0 =	sshrl.u32 @!p1 s0, $0x3;
	s2 =	sadd.s32 @!p1 $0x8000, s2  }
0x10b: {  	[tilespmem:s15], [sflag:$0x2] =	stream.linear.gather @!p1 [hbm4b:s2+s14], $0x4000, $0x38;
	[tilespmem:$0x18080] =	vst v63  }
0x10c: {  	s0 =	sadd.s32 @!p1 s3, s0;
	s2 =	simm.s32 @!p1 $0x8000  }
0x10d: {  	[tilespmem:s2], [sflag:$0x3] =	stream.linear.gather @!p1 [hbm4b:s0+s14], $0x4000, $0x38;
	[tilespmem:$0x18080] =	vst v63  }
0x10e: {  	_ =	swait.ge [sflag:s22], $0x4000  }
0x10f: {  	[sflag:s22] =	ssyncset.done $0x0  }
0x110: {  	[sflag:s22] =	ssyncadd.s32 $0xFFFFC000  }
0x111: {  	_ =	swait.ge [sflag:s23], $0x4000  }
0x112: {  	[sflag:s23] =	ssyncset.done $0x0  }
0x113: {  	[sflag:s23] =	ssyncadd.s32 $0xFFFFC000  }
0x114: {  	_ =	swait.ge [sflag:s24], $0x4000  }
0x115: {  	s29 =	simm.s32 $0x0;
	[sflag:s24] =	ssyncset.done $0x0  }
0x116: {  	s30 =	simm.s32 $0x0;
	s0 =	simm.s32 $0x0;
	[sflag:s24] =	ssyncadd.s32 $0xFFFFC000  }
.LBB2_7:
0x117: {  	s2 =	sshll.u32 s30, $0x2;
	s14 =	sand.u32 $0x7, s29  }
0x118: {  	s2 =	sand.u32 $0xFFFFC000, s2;
	s14 =	sshll.u32 s14, $0x9  }
0x119: {  	s2 =	sor.u32 s14, s2  }
0x11a: {  	s2 =	sshrl.u32 s2, $0x2  }
0x11b: {  	s15 =	sadd.s32 $0x14040, s2  }
0x11c: {  	s25 =	sadd.s32 $0xC040, s2;
	v1 =	vld [tilespmem:s15+$0x30]  }
0x11d: {  	s2 =	sadd.s32 $0x10040, s2;
	v2 =	vld [tilespmem:s25+$0x30]  }
0x11e: {  	v3 =	vld [tilespmem:s2+$0x20]  }
0x11f: {  	v4 =	vld [tilespmem:s15+$0x20]  }
0x120: {  	v5 =	vld [tilespmem:s2+$0x30]  }
0x121: {  	v6 =	vld [tilespmem:s25+$0x20]  }
0x122: {  	v7 =	vld [tilespmem:s15+$0x0]  }
0x123: {  	v8 =	vld [tilespmem:s2+$0xFFFFFFF0]  }
0x124: {  	v9 =	vld [tilespmem:s25+$0x0]  }
0x125: {  	v10 =	vld [tilespmem:s2+$0x0]  }
0x126: {  	v11 =	vld [tilespmem:s15+$0xFFFFFFF0]  }
0x127: {  	v12 =	vld [tilespmem:s2+$0xFFFFFFE0]  }
0x128: {  	v13 =	vld [tilespmem:s2+$0xFFFFFFD0]  }
0x129: {  	v3 =	vsub.f32 v3, v6;
	v6 =	vld [tilespmem:s25+$0xFFFFFFF0]  }
0x12a: {  	v4 =	vshll.u32 v4, $0x1F;
	v2 =	vsub.f32 v5, v2;
	v5 =	vsub.f32 v10, v9;
	v9 =	vld [tilespmem:s25+$0xFFFFFFE0]  }
0x12b: {  	v10 =	vld [tilespmem:s15+$0xFFFFFFE0];
	v3 =	vxor.u32 v3, v4  }
0x12c: {  	v7 =	vshll.u32 v7, $0x1F;
	v4 =	vld [tilespmem:s25+$0xFFFFFFD0];
	v3 =	vmul.f32 $1.442695020e+00, v3  }
0x12d: {  	v14 =	vld [tilespmem:s15+$0xFFFFFFD0];
	v5 =	vxor.u32 v5, v7  }
0x12e: {  	s14 =	sadd.s32 $0x400, s25;
	v1 =	vshll.u32 v1, $0x1F;
	v5 =	vmul.f32 $1.442695020e+00, v5;
	(erf) = vpow2.f32 v3  }
0x12f: {  	v20 =	vld [tilespmem:s14+$0xFFFFFFC0];
	v1 =	vxor.u32 v2, v1;
	v7 =	vshll.u32 v11, $0x1F;
	v6 =	vsub.f32 v8, v6  }
0x130: {  	v1 =	vmul.f32 $1.442695020e+00, v1;
	v3 =	vld [tilespmem:s2+$0x10];
	(erf) = vpow2.f32 v5;
	v5 =	vsub.f32 v12, v9  }
0x131: {  	v10 =	vshll.u32 v10, $0x1F;
	v6 =	vxor.u32 v6, v7;
	v4 =	vsub.f32 v13, v4;
	v7 =	vld [tilespmem:s25+$0x10]  }
0x132: {  	v11 =	vshll.u32 v14, $0x1F;
	v8 =	vld [tilespmem:s15+$0x10];
	(erf) = vpow2.f32 v1;
	v5 =	vxor.u32 v5, v10  }
0x133: {  	v2 =	vld [tilespmem:s25+$0xFFFFFFC0];
	v6 =	vmul.f32 $1.442695020e+00, v6;
	v1 =	vxor.u32 v4, v11;
	v5 =	vmul.f32 $1.442695020e+00, v5  }
0x134: {  	v9 =	vld [tilespmem:s2+$0xFFFFFFC0];
	v1 =	vmul.f32 $1.442695020e+00, v1  }
0x135: {  	v4 =	vld [tilespmem:s15+$0xFFFFFFC0];
	(erf) = vpow2.f32 v6  }
0x136: {  	s31 =	sadd.s32 $0x400, s2;
	v24 =	vld [tilespmem:s14+$0x30];
	(erf) = vpow2.f32 v1;
	v1 =	vsub.f32 v3, v7  }
0x137: {  	v25 =	vld [tilespmem:s31+$0x20];
	v3 =	vshll.u32 v8, $0x1F;
	(erf) = vpow2.f32 v5;
	v5 =	vpop (erf)  }
0x138: {  	v28 =	vld [tilespmem:s31+$0x30];
	v1 =	vxor.u32 v1, v3;
	v3 =	vadd.f32 $1.000000000e+00, v5  }
0x139: {  	v48 =	vld [tilespmem:s14+$0x20];
	v2 =	vsub.f32 v9, v2  }
0x13a: {  	v34 =	vld [tilespmem:s14+$0x0];
	v4 =	vshll.u32 v4, $0x1F  }
0x13b: {  	v36 =	vld [tilespmem:s31+$0x0];
	v2 =	vxor.u32 v2, v4;
	v1 =	vmul.f32 $1.442695020e+00, v1  }
0x13c: {  	v39 =	vld [tilespmem:s31+$0xFFFFFFE0];
	v2 =	vmul.f32 $1.442695020e+00, v2;
	(erf) = vrcp.f32 v3;
	v3 =	vpop (erf)  }
0x13d: {  	v52 =	vld [tilespmem:s31+$0xFFFFFFD0];
	(erf) = vpow2.f32 v1;
	v1 =	vadd.f32 $1.000000000e+00, v3;
	v3 =	vpop (erf)  }
0x13e: {  	v54 =	vld [tilespmem:s31+$0xFFFFFFC0];
	v3 =	vadd.f32 $1.000000000e+00, v3  }
0x13f: {  	v57 =	vld [tilespmem:s14+$0xFFFFFFD0]  }
0x140: {  	v58 =	vld [tilespmem:s14+$0xFFFFFFE0];
	s25 =	sadd.s32 $0x400, s15;
	(erf) = vpow2.f32 v2;
	v2 =	vpop (erf)  }
0x141: {  	v27 =	vld [tilespmem:s25+$0x20];
	(erf) = vrcp.f32 v1;
	v1 =	vadd.f32 $1.000000000e+00, v2;
	v2 =	vpop (erf)  }
0x142: {  	v29 =	vld [tilespmem:s25+$0x0];
	(erf) = vrcp.f32 v3;
	v3 =	vpop (erf)  }
0x143: {  	v31 =	vld [tilespmem:s25+$0x10];
	v2 =	vadd.f32 $1.000000000e+00, v2;
	(erf) = vrcp.f32 v1;
	v1 =	vadd.f32 $1.000000000e+00, v3  }
0x144: {  	v38 =	vld [tilespmem:s25+$0xFFFFFFF0]  }
0x145: {  	v41 =	vld [tilespmem:s25+$0xFFFFFFE0];
	(erf) = vrcp.f32 v2  }
0x146: {  	v24 =	vsub.f32 v28, v24;
	v25 =	vsub.f32 v25, v48  }
0x147: {  	v34 =	vsub.f32 v36, v34;
	v20 =	vsub.f32 v54, v20;
	(erf) = vrcp.f32 v1;
	v1 =	vpop (erf)  }
0x148: {  	v28 =	vsub.f32 v52, v57;
	v62 =	vsub.f32 v39, v58;
	v29 =	vshll.u32 v29, $0x1F;
	v2 =	vpop (erf)  }
0x149: {  	v31 =	vshll.u32 v31, $0x1F;
	v27 =	vshll.u32 v27, $0x1F;
	v2 =	vadd.f32 $1.000000000e+00, v2  }
0x14a: {  	v60 =	vshll.u32 v38, $0x1F;
	v61 =	vshll.u32 v41, $0x1F;
	v1 =	vmax.f32 v1, $9.999999930e-09;
	v3 =	vpop (erf)  }
0x14b: {  	v25 =	vxor.u32 v25, v27;
	v55 =	vxor.u32 v34, v29;
	v4 =	vand.u32 $0x7FFFFF, v1;
	v5 =	vpop (erf)  }
0x14c: {  	v25 =	vmul.f32 $1.442695020e+00, v25;
	v27 =	vmul.f32 $1.442695020e+00, v55;
	v4 =	vor.u32 $0x3F800000, v4;
	v6 =	vpop (erf)  }
0x14d: {  	v3 =	vadd.f32 $1.000000000e+00, v3;
	v8 =	vmul.f32 $1.555145530e-01, v4;
	(erf) = vrcp.f32 v2;
	v2 =	vpop (erf)  }
0x14e: {  	v7 =	vsub.f32 $1.000000000e+00, v1;
	v1 =	vshra.s32 v1, $0x17;
	v10 =	vmax.f32 v2, $9.999999930e-09;
	v11 =	vpop (erf)  }
0x14f: {  	(erf) = vrcp.f32 v3;
	v3 =	vand.u32 $0x7FFFFF, v10;
	v11 =	vmax.f32 v11, $9.999999930e-09  }
0x150: {  	v59 =	vld [tilespmem:s25+$0xFFFFFFC0];
	v12 =	vor.u32 $0x3F800000, v3;
	v3 =	vadd.f32 $-1.039568780e+00, v8;
	v13 =	vand.u32 $0x7FFFFF, v11  }
0x151: {  	v1 =	vcvt.s32.f32 v1;
	v5 =	vmax.f32 v5, $9.999999930e-09;
	v8 =	vpop (erf);
	v13 =	vor.u32 $0x3F800000, v13  }
0x152: {  	v8 =	vmax.f32 v8, $9.999999930e-09;
	v3 =	vmul.f32 v4, v3;
	v16 =	vmul.f32 $1.555145530e-01, v13  }
0x153: {  	v7 =	vmul.f32 v7, v7;
	v9 =	vshra.s32 v5, $0x17;
	v14 =	vand.u32 $0x7FFFFF, v8  }
0x154: {  	v14 =	vor.u32 $0x3F800000, v14;
	v3 =	vadd.f32 $3.029932260e+00, v3;
	v16 =	vadd.f32 $-1.039568780e+00, v16  }
0x155: {  	(erf) = vpow2.f32 v25;
	v25 =	vshll.u32 v59, $0x1F;
	v18 =	vmul.f32 $1.555145530e-01, v14  }
0x156: {  	v22 =	vmul.f32 v4, v3;
	v3 =	vmax.f32 v6, $9.999999930e-09;
	v6 =	vmul.f32 v13, v16  }
0x157: {  	v2 =	vcvt.s32.f32 v9;
	v9 =	vand.u32 $0x7FFFFF, v5;
	v5 =	vsub.f32 $1.000000000e+00, v5  }
0x158: {  	(erf) = vpow2.f32 v27;
	v18 =	vadd.f32 $-1.039568780e+00, v18;
	v26 =	vadd.f32 $3.029932260e+00, v6  }
0x159: {  	v15 =	vshra.s32 v11, $0x17;
	v23 =	vmul.f32 $1.555145530e-01, v12;
	v17 =	vshra.s32 v8, $0x17  }
0x15a: {  	v8 =	vsub.f32 $1.000000000e+00, v8;
	v18 =	vmul.f32 v14, v18;
	v13 =	vmul.f32 v13, v26  }
0x15b: {  	v9 =	vor.u32 $0x3F800000, v9;
	v15 =	vcvt.s32.f32 v15;
	v23 =	vadd.f32 $-1.039568780e+00, v23  }
0x15c: {  	v6 =	vmul.f32 v8, v8;
	v8 =	vadd.f32 $3.029932260e+00, v18;
	v13 =	vadd.f32 $-1.291451570e+02, v13  }
0x15d: {  	v19 =	vshra.s32 v10, $0x17;
	v10 =	vsub.f32 $1.000000000e+00, v10;
	v37 =	vmul.f32 $1.555145530e-01, v9  }
0x15e: {  	v14 =	vmul.f32 v14, v8;
	v8 =	vadd.f32 v15, v13;
	v13 =	vmul.f32 v12, v23  }
0x15f: {  	v5 =	vmul.f32 v5, v5;
	v56 =	vadd.f32 $-1.039568780e+00, v37;
	v4 =	vsub.f32 $1.000000000e+00, v11  }
0x160: {  	v19 =	vcvt.s32.f32 v19;
	v11 =	vld [tilespmem:s25+$0x30];
	v22 =	vadd.f32 $-1.291451570e+02, v22;
	v13 =	vadd.f32 $3.029932260e+00, v13  }
0x161: {  	v17 =	vcvt.s32.f32 v17;
	v21 =	vpop (erf);
	v29 =	vmul.f32 v9, v56;
	v33 =	vand.u32 $0x7FFFFF, v3  }
0x162: {  	v49 =	vld [tilespmem:s14+$0x10];
	v16 =	vpop (erf);
	v33 =	vor.u32 $0x3F800000, v33;
	v1 =	vadd.f32 v1, v22;
	v12 =	vmul.f32 v12, v13  }
0x163: {  	v40 =	vld [tilespmem:s14+$0xFFFFFFF0];
	v21 =	vmax.f32 v21, $9.999999930e-09;
	v16 =	vmax.f32 v16, $9.999999930e-09;
	v50 =	vmul.f32 $1.555145530e-01, v33  }
0x164: {  	v18 =	vand.u32 $0x7FFFFF, v16;
	v1 =	vmul.f32 v1, v7;
	v7 =	vld [tilespmem:s31+$0xFFFFFFF0];
	v12 =	vadd.f32 $-1.291451570e+02, v12  }
0x165: {  	v32 =	vsub.f32 $1.000000000e+00, v21;
	v22 =	vld [tilespmem:s31+$0x10];
	v18 =	vor.u32 $0x3F800000, v18;
	v11 =	vshll.u32 v11, $0x1F  }
0x166: {  	v51 =	vadd.f32 $-1.039568780e+00, v50;
	v30 =	vmul.f32 $1.555145530e-01, v18;
	v19 =	vadd.f32 v19, v12;
	v12 =	vld [tilespmem:s25+$0xFFFFFFD0]  }
0x167: {  	v35 =	vshra.s32 v16, $0x17;
	v16 =	vsub.f32 $1.000000000e+00, v16;
	v11 =	vxor.u32 v24, v11  }
0x168: {  	v26 =	vmul.f32 v33, v51;
	v11 =	vmul.f32 $1.442695020e+00, v11;
	v23 =	vadd.f32 $-1.039568780e+00, v30  }
0x169: {  	v15 =	vshra.s32 v21, $0x17;
	v14 =	vadd.f32 $-1.291451570e+02, v14;
	v7 =	vsub.f32 v7, v40  }
0x16a: {  	v53 =	vadd.f32 $3.029932260e+00, v26;
	v22 =	vsub.f32 v22, v49;
	(erf) = vpow2.f32 v11  }
0x16b: {  	v11 =	vadd.f32 $3.029932260e+00, v29;
	v7 =	vxor.u32 v7, v60;
	v12 =	vshll.u32 v12, $0x1F  }
0x16c: {  	v24 =	vmul.f32 v33, v53;
	v7 =	vmul.f32 $1.442695020e+00, v7;
	v12 =	vxor.u32 v28, v12  }
0x16d: {  	v22 =	vxor.u32 v22, v31;
	v9 =	vmul.f32 v9, v11;
	v12 =	vmul.f32 $1.442695020e+00, v12  }
0x16e: {  	(erf) = vpow2.f32 v7;
	v7 =	vxor.u32 v20, v25;
	v20 =	vxor.u32 v62, v61  }
0x16f: {  	v11 =	vpop (erf);
	v20 =	vmul.f32 $1.442695020e+00, v20;
	(erf) = vpow2.f32 v12;
	v12 =	vand.u32 $0x7FFFFF, v21  }
0x170: {  	v11 =	vadd.f32 $1.000000000e+00, v11;
	v21 =	vmul.f32 $1.442695020e+00, v22;
	v12 =	vor.u32 $0x3F800000, v12  }
0x171: {  	v14 =	vadd.f32 v17, v14;
	(erf) = vpow2.f32 v20;
	v17 =	vmul.f32 $1.555145530e-01, v12  }
0x172: {  	v13 =	vshra.s32 v3, $0x17;
	(erf) = vrcp.f32 v11;
	v11 =	vmul.f32 v18, v23  }
0x173: {  	v3 =	vsub.f32 $1.000000000e+00, v3;
	v13 =	vcvt.s32.f32 v13;
	v7 =	vmul.f32 $1.442695020e+00, v7  }
0x174: {  	v24 =	vadd.f32 $-1.291451570e+02, v24;
	(erf) = vpow2.f32 v21;
	v17 =	vadd.f32 $-1.039568780e+00, v17  }
0x175: {  	v9 =	vadd.f32 $-1.291451570e+02, v9;
	v20 =	vpop (erf);
	(erf) = vpow2.f32 v7;
	v7 =	vadd.f32 $3.029932260e+00, v11  }
0x176: {  	v20 =	vadd.f32 $1.000000000e+00, v20;
	v21 =	vmul.f32 v10, v10;
	v11 =	vpop (erf);
	v10 =	vmul.f32 v12, v17  }
0x177: {  	v3 =	vmul.f32 v3, v3;
	v7 =	vmul.f32 v18, v7;
	v11 =	vadd.f32 $1.000000000e+00, v11  }
0x178: {  	v13 =	vadd.f32 v13, v24;
	(erf) = vrcp.f32 v20;
	v10 =	vadd.f32 $3.029932260e+00, v10  }
0x179: {  	v18 =	vcvt.s32.f32 v35;
	v17 =	vpop (erf);
	v7 =	vadd.f32 $-1.291451570e+02, v7;
	(erf) = vrcp.f32 v11  }
0x17a: {  	v11 =	vadd.f32 v2, v9;
	v9 =	vmul.f32 v12, v10;
	v12 =	vmul.f32 v16, v16  }
0x17b: {  	v6 =	vmul.f32 v14, v6;
	v17 =	vadd.f32 $1.000000000e+00, v17;
	v2 =	vpop (erf);
	v7 =	vadd.f32 v18, v7  }
0x17c: {  	v3 =	vmul.f32 v13, v3;
	v2 =	vadd.f32 $1.000000000e+00, v2;
	v11 =	vmul.f32 v11, v5;
	v10 =	vpop (erf)  }
0x17d: {  	(erf) = vrcp.f32 v17;
	v16 =	vmul.f32 v7, v12;
	v10 =	vadd.f32 $1.000000000e+00, v10;
	v13 =	vpop (erf)  }
0x17e: {  	v9 =	vadd.f32 $-1.291451570e+02, v9;
	v7 =	vcvt.s32.f32 v15;
	v12 =	vpop (erf);
	(erf) = vrcp.f32 v2  }
0x17f: {  	v13 =	vmax.f32 v13, $9.999999930e-09;
	v2 =	vmul.f32 v32, v32;
	(erf) = vrcp.f32 v10  }
0x180: {  	v7 =	vadd.f32 v7, v9;
	v0 =	vadd.f32 v16, v0;
	v10 =	vmul.f32 v4, v4  }
0x181: {  	v17 =	vadd.f32 $1.000000000e+00, v12;
	v9 =	vand.u32 $0x7FFFFF, v13;
	v4 =	vsub.f32 $1.000000000e+00, v13  }
0x182: {  	v15 =	vpop (erf);
	v12 =	vshra.s32 v13, $0x17;
	v13 =	vor.u32 $0x3F800000, v9;
	v8 =	vmul.f32 v8, v10  }
0x183: {  	v15 =	vadd.f32 $1.000000000e+00, v15;
	v7 =	vmul.f32 v7, v2;
	v18 =	vmul.f32 $1.555145530e-01, v13;
	v2 =	vpop (erf)  }
0x184: {  	(erf) = vrcp.f32 v17;
	v16 =	vmax.f32 v2, $9.999999930e-09;
	v0 =	vadd.f32 v8, v0  }
0x185: {  	v10 =	vpop (erf);
	v17 =	vadd.f32 $-1.039568780e+00, v18;
	v2 =	vshra.s32 v16, $0x17;
	v14 =	vand.u32 $0x7FFFFF, v16  }
0x186: {  	v16 =	vsub.f32 $1.000000000e+00, v16;
	v9 =	vpop (erf);
	v0 =	vadd.f32 v6, v0;
	v6 =	vmul.f32 v19, v21  }
0x187: {  	v2 =	vcvt.s32.f32 v2;
	(erf) = vrcp.f32 v15;
	v9 =	vmax.f32 v9, $9.999999930e-09;
	v15 =	vpop (erf)  }
0x188: {  	v8 =	vand.u32 $0x7FFFFF, v9;
	v20 =	vadd.f32 v6, v0;
	v0 =	vmul.f32 v13, v17;
	v18 =	vpop (erf)  }
0x189: {  	v8 =	vor.u32 $0x3F800000, v8;
	v5 =	vmax.f32 v15, $9.999999930e-09;
	v6 =	vmax.f32 v18, $9.999999930e-09  }
0x18a: {  	v15 =	vand.u32 $0x7FFFFF, v5;
	v63 =	vadd.f32 $3.029932260e+00, v0;
	v18 =	vand.u32 $0x7FFFFF, v6  }
0x18b: {  	v0 =	vmul.f32 v16, v16;
	v21 =	vor.u32 $0x3F800000, v15;
	v18 =	vor.u32 $0x3F800000, v18  }
0x18c: {  	v17 =	vshra.s32 v5, $0x17;
	v22 =	vmul.f32 $1.555145530e-01, v21;
	v23 =	vmul.f32 $1.555145530e-01, v18  }
0x18d: {  	s14 =	sadd.s32 $0x400, s14;
	v16 =	vadd.f32 v11, v20;
	v19 =	vshra.s32 v6, $0x17;
	v15 =	vshra.s32 v9, $0x17  }
0x18e: {  	s2 =	simm.s32 $0x8;
	s15 =	sadd.s32 $0x400, s31;
	s25 =	sadd.s32 $0x400, s25;
	v20 =	vpop (erf);
	v13 =	vmul.f32 v13, v63;
	v22 =	vadd.f32 $-1.039568780e+00, v22;
	v11 =	vadd.f32 $-1.039568780e+00, v23  }
.LBB2_8:
0x18f: {  	v23 =	vld [tilespmem:s14+$0xFFFFFFC0];
	s2 =	sadd.s32 $0x8, s2;
	v5 =	vsub.f32 $1.000000000e+00, v5;
	v24 =	vmul.f32 $1.555145530e-01, v8;
	v10 =	vmax.f32 v10, $9.999999930e-09  }
0x190: {  	v6 =	vsub.f32 $1.000000000e+00, v6;
	v25 =	vld [tilespmem:s25+$0x30];
	p1 =	slt.u32 s2, $0x18;
	v22 =	vmul.f32 v21, v22;
	v26 =	vmul.f32 v18, v11;
	v11 =	vpop (erf)  }
0x191: {  	v12 =	vcvt.s32.f32 v12;
	v28 =	vadd.f32 $-1.291451570e+02, v13;
	v27 =	vld [tilespmem:s14+$0x30];
	v11 =	vmax.f32 v11, $9.999999930e-09  }
0x192: {  	v6 =	vmul.f32 v6, v6;
	v29 =	vld [tilespmem:s15+$0x20];
	v22 =	vadd.f32 $3.029932260e+00, v22;
	v26 =	vadd.f32 $3.029932260e+00, v26  }
0x193: {  	v32 =	vor.u32 $0x3F800000, v14;
	v13 =	vsub.f32 $1.000000000e+00, v9;
	v31 =	vand.u32 $0x7FFFFF, v11;
	v30 =	vld [tilespmem:s25+$0x20]  }
0x194: {  	v12 =	vadd.f32 v12, v28;
	v33 =	vld [tilespmem:s15+$0x30];
	v9 =	vmul.f32 v21, v22;
	v21 =	vadd.f32 $-1.039568780e+00, v24  }
0x195: {  	v19 =	vcvt.s32.f32 v19;
	v4 =	vmul.f32 v4, v4;
	v14 =	vor.u32 $0x3F800000, v31;
	v22 =	vld [tilespmem:s14+$0x20]  }
0x196: {  	v17 =	vcvt.s32.f32 v17;
	v18 =	vmul.f32 v18, v26;
	v24 =	vld [tilespmem:s15+$0x10];
	v9 =	vadd.f32 $-1.291451570e+02, v9  }
0x197: {  	v20 =	vmax.f32 v20, $9.999999930e-09;
	v28 =	vmul.f32 $1.555145530e-01, v14;
	v31 =	vmul.f32 v12, v4;
	v26 =	vld [tilespmem:s25+$0x0]  }
0x198: {  	v12 =	vshra.s32 v20, $0x17;
	v34 =	vld [tilespmem:s25+$0x10];
	v9 =	vadd.f32 v17, v9;
	v17 =	vmul.f32 v8, v21  }
0x199: {  	v35 =	vand.u32 $0x7FFFFF, v10;
	v4 =	vsub.f32 $1.000000000e+00, v20;
	v28 =	vadd.f32 $-1.039568780e+00, v28;
	v21 =	vld [tilespmem:s15+$0xFFFFFFF0]  }
0x19a: {  	v35 =	vor.u32 $0x3F800000, v35;
	v37 =	vshra.s32 v11, $0x17;
	v25 =	vshll.u32 v25, $0x1F;
	v36 =	vld [tilespmem:s14+$0x10]  }
0x19b: {  	v7 =	vadd.f32 v7, v16;
	v39 =	vmul.f32 $1.555145530e-01, v32;
	v17 =	vadd.f32 $3.029932260e+00, v17;
	v38 =	vld [tilespmem:s14+$0x0]  }
0x19c: {  	v27 =	vsub.f32 v33, v27;
	v33 =	vcvt.s32.f32 v15;
	v15 =	vmul.f32 $1.555145530e-01, v35;
	v16 =	vld [tilespmem:s15+$0x0]  }
0x19d: {  	v7 =	vadd.f32 v1, v7;
	v1 =	vmovc v31;
	v8 =	vmul.f32 v8, v17;
	v17 =	vshra.s32 v10, $0x17;
	v40 =	vld [tilespmem:s25+$0xFFFFFFF0]  }
0x19e: {  	v22 =	vsub.f32 v29, v22;
	v29 =	vadd.f32 $-1.039568780e+00, v15;
	v26 =	vshll.u32 v26, $0x1F;
	v31 =	vld [tilespmem:s15+$0xFFFFFFE0]  }
0x19f: {  	v15 =	vadd.f32 v3, v7;
	v34 =	vshll.u32 v34, $0x1F;
	v8 =	vadd.f32 $-1.291451570e+02, v8;
	v41 =	vld [tilespmem:s15+$0xFFFFFFD0]  }
0x1a0: {  	v18 =	vadd.f32 $-1.291451570e+02, v18;
	v7 =	vshll.u32 v30, $0x1F;
	v29 =	vmul.f32 v35, v29;
	v3 =	vld [tilespmem:s14+$0xFFFFFFF0]  }
0x1a1: {  	v7 =	vxor.u32 v22, v7;
	v8 =	vadd.f32 v33, v8;
	v30 =	vld [tilespmem:s25+$0xFFFFFFE0];
	v38 =	vsub.f32 v16, v38  }
0x1a2: {  	v25 =	vxor.u32 v27, v25;
	v16 =	vadd.f32 v19, v18;
	v18 =	vadd.f32 $3.029932260e+00, v29;
	v22 =	vld [tilespmem:s25+$0xFFFFFFD0]  }
0x1a3: {  	v27 =	vadd.f32 $-1.039568780e+00, v39;
	v7 =	vmul.f32 $1.442695020e+00, v7;
	v19 =	vld [tilespmem:s15+$0xFFFFFFC0];
	v26 =	vxor.u32 v38, v26  }
0x1a4: {  	v25 =	vmul.f32 $1.442695020e+00, v25;
	v24 =	vsub.f32 v24, v36;
	v18 =	vmul.f32 v35, v18;
	v29 =	vld [tilespmem:s14+$0xFFFFFFD0]  }
0x1a5: {  	v33 =	vld [tilespmem:s14+$0xFFFFFFE0];
	v3 =	vsub.f32 v21, v3;
	(erf) = vpow2.f32 v7;
	v7 =	vcvt.s32.f32 v17  }
0x1a6: {  	v26 =	vmul.f32 $1.442695020e+00, v26;
	v21 =	vshll.u32 v40, $0x1F;
	v18 =	vadd.f32 $-1.291451570e+02, v18;
	v17 =	vld [tilespmem:s25+$0xFFFFFFC0]  }
0x1a7: {  	v22 =	vshll.u32 v22, $0x1F;
	v3 =	vxor.u32 v3, v21;
	v21 =	vmul.f32 v32, v27  }
0x1a8: {  	v7 =	vadd.f32 v7, v18;
	v19 =	vsub.f32 v19, v23;
	v23 =	vshll.u32 v30, $0x1F  }
0x1a9: {  	v3 =	vmul.f32 $1.442695020e+00, v3;
	v18 =	vsub.f32 v41, v29;
	(erf) = vpow2.f32 v26  }
0x1aa: {  	v21 =	vadd.f32 $3.029932260e+00, v21;
	v26 =	vsub.f32 v31, v33;
	(erf) = vpow2.f32 v25  }
0x1ab: {  	v17 =	vshll.u32 v17, $0x1F;
	v18 =	vxor.u32 v18, v22;
	(erf) = vpow2.f32 v3  }
0x1ac: {  	v3 =	vxor.u32 v19, v17;
	v22 =	vmul.f32 $1.442695020e+00, v18;
	v18 =	vxor.u32 v26, v23  }
0x1ad: {  	v21 =	vmul.f32 v32, v21;
	v19 =	vxor.u32 v24, v34;
	v18 =	vmul.f32 $1.442695020e+00, v18  }
0x1ae: {  	v20 =	vand.u32 $0x7FFFFF, v20;
	v3 =	vmul.f32 $1.442695020e+00, v3;
	(erf) = vpow2.f32 v22;
	v17 =	vpop (erf)  }
0x1af: {  	v20 =	vor.u32 $0x3F800000, v20;
	v19 =	vmul.f32 $1.442695020e+00, v19;
	v17 =	vadd.f32 $1.000000000e+00, v17  }
0x1b0: {  	(erf) = vpow2.f32 v18;
	v18 =	vadd.f32 $-1.291451570e+02, v21;
	v21 =	vmul.f32 $1.555145530e-01, v20  }
0x1b1: {  	(erf) = vrcp.f32 v17;
	v17 =	vmul.f32 v14, v28  }
0x1b2: {  	v22 =	vpop (erf);
	(erf) = vpow2.f32 v19;
	v18 =	vadd.f32 v2, v18;
	v2 =	vadd.f32 $-1.039568780e+00, v21  }
0x1b3: {  	v19 =	vadd.f32 $1.000000000e+00, v22;
	(erf) = vpow2.f32 v3;
	v3 =	vpop (erf);
	v17 =	vadd.f32 $3.029932260e+00, v17  }
0x1b4: {  	v11 =	vsub.f32 $1.000000000e+00, v11;
	v13 =	vmul.f32 v13, v13;
	v21 =	vpop (erf);
	v2 =	vmul.f32 v20, v2  }
0x1b5: {  	v3 =	vadd.f32 $1.000000000e+00, v3;
	(erf) = vrcp.f32 v19;
	v14 =	vmul.f32 v14, v17  }
0x1b6: {  	v10 =	vsub.f32 $1.000000000e+00, v10;
	v17 =	vcvt.s32.f32 v37;
	v2 =	vadd.f32 $3.029932260e+00, v2  }
0x1b7: {  	v19 =	vadd.f32 $1.000000000e+00, v21;
	v21 =	vpop (erf);
	(erf) = vrcp.f32 v3;
	v3 =	vadd.f32 $-1.291451570e+02, v14  }
0x1b8: {  	v10 =	vmul.f32 v10, v10;
	v14 =	vadd.f32 $1.000000000e+00, v21;
	v2 =	vmul.f32 v20, v2  }
0x1b9: {  	v11 =	vmul.f32 v11, v11;
	v20 =	vpop (erf);
	(erf) = vrcp.f32 v19;
	v21 =	vadd.f32 v17, v3  }
0x1ba: {  	v3 =	vmul.f32 v7, v10;
	v19 =	vadd.f32 $1.000000000e+00, v20;
	v20 =	vpop (erf);
	v2 =	vadd.f32 $-1.291451570e+02, v2  }
0x1bb: {  	v10 =	vcvt.s32.f32 v12;
	v7 =	vpop (erf);
	v11 =	vmul.f32 v21, v11  }
0x1bc: {  	v12 =	vmax.f32 v20, $9.999999930e-09;
	v17 =	vpop (erf);
	(erf) = vrcp.f32 v14;
	v14 =	vmul.f32 v4, v4  }
0x1bd: {  	v20 =	vadd.f32 $1.000000000e+00, v7;
	v2 =	vadd.f32 v10, v2;
	(erf) = vrcp.f32 v19  }
0x1be: {  	v5 =	vmul.f32 v5, v5;
	v21 =	vand.u32 $0x7FFFFF, v12;
	v17 =	vadd.f32 $1.000000000e+00, v17;
	v19 =	vpop (erf)  }
0x1bf: {  	v4 =	vsub.f32 $1.000000000e+00, v12;
	v12 =	vshra.s32 v12, $0x17;
	v7 =	vmul.f32 v2, v14  }
0x1c0: {  	v5 =	vmul.f32 v9, v5;
	v23 =	vor.u32 $0x3F800000, v21;
	v2 =	vadd.f32 v11, v15;
	v10 =	vpop (erf)  }
0x1c1: {  	v15 =	vmul.f32 $1.555145530e-01, v23;
	v11 =	vmax.f32 v19, $9.999999930e-09;
	(erf) = vrcp.f32 v20  }
0x1c2: {  	v6 =	vmul.f32 v16, v6;
	v14 =	vshra.s32 v11, $0x17;
	v5 =	vadd.f32 v5, v2;
	v9 =	vpop (erf)  }
0x1c3: {  	v2 =	vcvt.s32.f32 v14;
	v14 =	vand.u32 $0x7FFFFF, v11;
	v9 =	vmax.f32 v9, $9.999999930e-09  }
0x1c4: {  	v5 =	vadd.f32 v6, v5;
	v6 =	vmul.f32 v8, v13;
	v19 =	vand.u32 $0x7FFFFF, v9  }
0x1c5: {  	v13 =	vadd.f32 $-1.039568780e+00, v15;
	v8 =	vor.u32 $0x3F800000, v19;
	(erf) = vrcp.f32 v17;
	v15 =	vpop (erf)  }
0x1c6: {  	v24 =	vmul.f32 v18, v0;
	v11 =	vsub.f32 $1.000000000e+00, v11;
	v22 =	vadd.f32 v6, v5;
	v16 =	vpop (erf)  }
0x1c7: {  	v0 =	vmul.f32 v23, v13;
	v5 =	vmax.f32 v15, $9.999999930e-09;
	v6 =	vmax.f32 v16, $9.999999930e-09  }
.Ltmp2:
0x1c8: {  	v17 =	vshra.s32 v5, $0x17;
	v13 =	vand.u32 $0x7FFFFF, v5;
	v15 =	vand.u32 $0x7FFFFF, v6;
	(pc) =	sbr.rel @p1 .LBB2_8-.Ltmp2, $4  }
0x1c9: {  	v21 =	vor.u32 $0x3F800000, v13;
	v19 =	vshra.s32 v6, $0x17;
	v18 =	vor.u32 $0x3F800000, v15  }
0x1ca: {  	v26 =	vadd.f32 $3.029932260e+00, v0;
	v13 =	vmul.f32 $1.555145530e-01, v21;
	v25 =	vmul.f32 $1.555145530e-01, v18;
	v20 =	vpop (erf)  }
0x1cb: {  	v0 =	vmul.f32 v11, v11;
	v16 =	vadd.f32 v24, v22;
	v15 =	vshra.s32 v9, $0x17  }
0x1cc: {  	s15 =	sadd.s32 $0x400, s15;
	s14 =	sadd.s32 $0x400, s14;
	s25 =	sadd.s32 $0x400, s25;
	v22 =	vadd.f32 $-1.039568780e+00, v13;
	v13 =	vmul.f32 v23, v26;
	v11 =	vadd.f32 $-1.039568780e+00, v25  }
0x1cd: {  	v5 =	vsub.f32 $1.000000000e+00, v5;
	v23 =	vmul.f32 $1.555145530e-01, v8  }
0x1ce: {  	v10 =	vmax.f32 v10, $9.999999930e-09;
	v6 =	vsub.f32 $1.000000000e+00, v6;
	v12 =	vcvt.s32.f32 v12  }
0x1cf: {  	v9 =	vsub.f32 $1.000000000e+00, v9;
	v14 =	vor.u32 $0x3F800000, v14;
	v19 =	vcvt.s32.f32 v19;
	v24 =	vpop (erf)  }
0x1d0: {  	v17 =	vcvt.s32.f32 v17;
	v45 =	vmax.f32 v20, $9.999999930e-09;
	v24 =	vmax.f32 v24, $9.999999930e-09  }
0x1d1: {  	v7 =	vadd.f32 v7, v16;
	v15 =	vcvt.s32.f32 v15;
	v25 =	vand.u32 $0x7FFFFF, v24  }
0x1d2: {  	v22 =	vmul.f32 v21, v22;
	v11 =	vmul.f32 v18, v11;
	v43 =	vor.u32 $0x3F800000, v25  }
0x1d3: {  	v13 =	vadd.f32 $-1.291451570e+02, v13;
	v47 =	vsub.f32 $1.000000000e+00, v45;
	v44 =	vmul.f32 $1.555145530e-01, v43  }
0x1d4: {  	v48 =	vand.u32 $0x7FFFFF, v10;
	v26 =	vmul.f32 $1.555145530e-01, v14;
	v52 =	vand.u32 $0x7FFFFF, v45  }
0x1d5: {  	v6 =	vmul.f32 v6, v6;
	v12 =	vadd.f32 v12, v13;
	v13 =	vadd.f32 $-1.039568780e+00, v44  }
0x1d6: {  	v23 =	vadd.f32 $-1.039568780e+00, v23;
	v1 =	vadd.f32 v1, v7;
	v5 =	vmul.f32 v5, v5  }
0x1d7: {  	v53 =	vor.u32 $0x3F800000, v52;
	v9 =	vmul.f32 v9, v9;
	v13 =	vmul.f32 v43, v13  }
0x1d8: {  	v22 =	vadd.f32 $3.029932260e+00, v22;
	v11 =	vadd.f32 $3.029932260e+00, v11;
	v49 =	vshra.s32 v24, $0x17  }
0x1d9: {  	v54 =	vadd.f32 $-1.039568780e+00, v26;
	v55 =	vmul.f32 $1.555145530e-01, v53;
	v13 =	vadd.f32 $3.029932260e+00, v13  }
0x1da: {  	v24 =	vsub.f32 $1.000000000e+00, v24;
	v46 =	vmul.f32 v8, v23;
	v23 =	vor.u32 $0x3F800000, v48  }
0x1db: {  	v25 =	vcvt.s32.f32 v49;
	v1 =	vadd.f32 v3, v1;
	v13 =	vmul.f32 v43, v13  }
0x1dc: {  	v42 =	vmul.f32 v21, v22;
	v11 =	vmul.f32 v18, v11;
	v20 =	vadd.f32 $3.029932260e+00, v46  }
0x1dd: {  	v50 =	vmul.f32 $1.555145530e-01, v23;
	v22 =	vadd.f32 $-1.039568780e+00, v55;
	v13 =	vadd.f32 $-1.291451570e+02, v13  }
0x1de: {  	v21 =	vadd.f32 $-1.291451570e+02, v42;
	v51 =	vmul.f32 v8, v20;
	v20 =	vmul.f32 v14, v54  }
0x1df: {  	v3 =	vmul.f32 v24, v24;
	v16 =	vadd.f32 $-1.039568780e+00, v50;
	v13 =	vadd.f32 v25, v13  }
0x1e0: {  	v22 =	vmul.f32 v53, v22;
	v11 =	vadd.f32 $-1.291451570e+02, v11;
	v20 =	vadd.f32 $3.029932260e+00, v20  }
0x1e1: {  	v17 =	vadd.f32 v17, v21;
	v16 =	vmul.f32 v23, v16;
	v3 =	vmul.f32 v13, v3  }
0x1e2: {  	v57 =	vadd.f32 $3.029932260e+00, v22;
	v11 =	vadd.f32 v19, v11;
	v56 =	vmul.f32 v14, v20  }
0x1e3: {  	v8 =	vadd.f32 $-1.291451570e+02, v51;
	v1 =	vadd.f32 v3, v1;
	v3 =	vmul.f32 v17, v5  }
0x1e4: {  	v58 =	vadd.f32 $3.029932260e+00, v16;
	v7 =	vmul.f32 v53, v57;
	v13 =	vadd.f32 $-1.291451570e+02, v56  }
0x1e5: {  	v8 =	vadd.f32 v15, v8;
	v1 =	vadd.f32 v3, v1;
	v3 =	vmul.f32 v11, v6  }
0x1e6: {  	v59 =	vshra.s32 v45, $0x17;
	v7 =	vadd.f32 $-1.291451570e+02, v7;
	v2 =	vadd.f32 v2, v13  }
0x1e7: {  	v6 =	vcvt.s32.f32 v59;
	v1 =	vadd.f32 v3, v1;
	v3 =	vmul.f32 v8, v9  }
0x1e8: {  	v60 =	vshra.s32 v10, $0x17;
	v61 =	vmul.f32 v47, v47;
	v5 =	vmul.f32 v23, v58  }
0x1e9: {  	v0 =	vmul.f32 v2, v0;
	v6 =	vadd.f32 v6, v7;
	v1 =	vadd.f32 v3, v1  }
0x1ea: {  	v63 =	vsub.f32 $1.000000000e+00, v10;
	v2 =	vmul.f32 v4, v4;
	v62 =	vadd.f32 $-1.291451570e+02, v5  }
0x1eb: {  	s0 =	sadd.s32 $0x1, s0;
	v3 =	vcvt.s32.f32 v60;
	v6 =	vmul.f32 v6, v61;
	v0 =	vadd.f32 v0, v1  }
0x1ec: {  	p1 =	sne.s32 s0, $0x20;
	v1 =	vmul.f32 v12, v2  }
.Ltmp3:
0x1ed: {  	v2 =	vadd.f32 v3, v62;
	v3 =	vmul.f32 v63, v63;
	v0 =	vadd.f32 v6, v0;
	(pc) =	sbr.rel @p1 .LBB2_7-.Ltmp3, $3  }
0x1ee: {  	_ = 	snop  }
0x1ef: {  	v2 =	vmul.f32 v2, v3;
	v0 =	vadd.f32 v1, v0;
	_ =	sdelay $0x1  }
0x1f0: {  	s30 =	sadd.s32 $0x200, s30;
	s29 =	sadd.s32 $0x1, s29;
	v0 =	vadd.f32 v2, v0  }
.Ltmp4:
0x1f1: {  	(pc) =	sbr.rel @p0 .LBB2_2-.Ltmp4, $2  }
0x1f2: {  	_ =	sdelay $0x2  }
0x1f3: {  	s29 =	simm.s32 $0x40;
	p2 =	por $0x0, $0x0;
	p1 =	por $0x1, $0x1  }
0x1f4: {  	s28 =	sadd.s32 $0x1, s28  }
0x1f5: {  	p0 =	sne.s32 s28, s13  }
.Ltmp5:
0x1f6: {  	[tilespmem:$0x18000] =	vst v0;
	s0 =	simm.s32 $0x18000;
	(pc) =	sbr.rel @p0 .LBB2_1-.Ltmp5, $4  }
0x1f7: {  	[hbm4b:s12+s4] =	stream.linear.scatter [tilespmem:s0], [sflag:$0x7], $0x80, $0x38;
	[tilespmem:$0x18080] =	vst v63  }
0x1f8: {  	_ =	swait.ge [sflag:s26], $0x80  }
0x1f9: {  	[sflag:s26] =	ssyncset.done $0x0  }
0x1fa: {  	[sflag:s26] =	ssyncadd.s32 $0xFFFFFF80  }
0x1fb: {  	_ =	sfence.sel $0x180000  }
0x1fc: {  	[bflag:$0x0] =	sbarrier.arrive $0xFFFF  }
0x1fd: {  	_ =	strace $0x90000047  }
0x1fe: {  	s0 =	stileid.u32;
	[bflag:$0x2] =	sbarrier.arrive $0xFFFF  }
0x1ff: {  	p0 =	sne.s32 s0, $0x0;
	s0 =	rddreg [dreg:$0x3]  }
0x200: {  	s0 =	sadd.s32 @!p0 $0x100000, s0  }
0x201: {  	[sflag:s0] =	ssyncadd.tile.s32 @!p0 $0x1;
	_ =	shalt  }
.Lfunc_end2:
_tile_overlayer_lowered:
.L_overlay_start_2:
0x202: {  	(tag) =	ssettag $0x2  }
0x203: {  	s0 =	rddreg [dreg:$0x0];
	s2 =	stileid.u32  }
0x204: {  	s1 =	rddreg [dreg:$0x1];
	p0 =	sne.s32 s2, $0x0  }
0x205: {  	s3 =	rddreg [dreg:$0x2];
	[bflag:$0x3] =	sbarrier.arrive $0xFFFF;
	s2 =	simm.s32 @!p0 $0x1C07  }
0x206: {  	[timem:s3], [sflag:s2] =	dma.local @!p0 [hbm:s0], s1  }
0x207: {  	s0 =	simm.s32 @!p0 $0x7  }
0x208: {  	_ =	swait.ge @!p0 [sflag:s0], s1  }
0x209: {  	s1 =	ssub.s32 @!p0 $0x0, s1;
	[sflag:s0] =	ssyncset.done @!p0 $0x0  }
0x20a: {  	[sflag:s0] =	ssyncadd.s32 @!p0 s1  }
0x20b: {  	[bflag:$0x3] =	sbarrier.arrive $0xFFFF  }
0x20c: {  	_ =	shalt  }

</sc_bundles>
